<compile_context>
chip_gen: v7x
topology: tpu7x:2x2x1
jax: 0.10.2.dev20260603
libtpu: 0.0.44.dev20260713+nightly
codegen_flags: <defaults>
</compile_context>

<pallas_src>
import functools

import jax
import jax.numpy as jnp
from jax import lax
from jax.experimental import pallas as pl
from jax.experimental.pallas import tpu as pltpu
from jax.experimental.pallas import tpu_sc as plsc

N = 50000
H = 256
NC = 2
NS = 16
NW = NC * NS
CH = 80
NCHUNKS = N // CH
MAXC = 20
NBUF = 5


@functools.partial(
    pl.kernel,
    out_type=jax.ShapeDtypeStruct((N, H), jnp.float32),
    mesh=plsc.VectorSubcoreMesh(core_axis_name="c", subcore_axis_name="s"),
    scratch_types=[
        pltpu.VMEM((MAXC * CH,), jnp.int32),
        pltpu.VMEM((NBUF, CH, H), jnp.float32),
        pltpu.SemaphoreType.DMA((NBUF,)),
        pltpu.SemaphoreType.DMA((NBUF,)),
    ],
)
def _sc_gather(table_hbm, idx_hbm, out_hbm, idx_all, rb, sem_g, sem_s):
    wid = lax.axis_index("s") * NC + lax.axis_index("c")
    n_w = jnp.where(wid < 17, 20, 19)
    s_w = jnp.where(wid < 17, 20 * wid, 340 + 19 * (wid - 17))

    def gather(j, s):
        pltpu.async_copy(
            table_hbm.at[idx_all.at[pl.ds(j * CH, CH)]], rb.at[s],
            sem_g.at[s])

    def wait_gather(j, s):
        pltpu.make_async_copy(
            table_hbm.at[idx_all.at[pl.ds(j * CH, CH)]], rb.at[s],
            sem_g.at[s]).wait()

    def store(j, s):
        pltpu.async_copy(
            rb.at[s], out_hbm.at[pl.ds((s_w + j) * CH, CH)], sem_s.at[s])

    def wait_store(j, s):
        pltpu.make_async_copy(
            rb.at[s], out_hbm.at[pl.ds((s_w + j) * CH, CH)],
            sem_s.at[s]).wait()

    pltpu.sync_copy(idx_hbm.at[pl.ds(s_w * CH, NBUF * CH)],
                    idx_all.at[pl.ds(0, NBUF * CH)])
    for s in range(NBUF):
        gather(s, s)
    pltpu.sync_copy(
        idx_hbm.at[pl.ds((s_w + NBUF) * CH, (MAXC - 1 - NBUF) * CH)],
        idx_all.at[pl.ds(NBUF * CH, (MAXC - 1 - NBUF) * CH)])
    pltpu.sync_copy(
        idx_hbm.at[pl.ds((s_w + n_w - 1) * CH, CH)],
        idx_all.at[pl.ds((MAXC - 1) * CH, CH)])

    def body(p, carry):
        for s in range(NBUF):
            j = NBUF * p + s
            wait_gather(j, s)

            @pl.when(j < n_w)
            def _():
                store(j, s)

        for s in range(NBUF):
            j = NBUF * p + s

            @pl.when(j < n_w)
            def _():
                wait_store(j, s)

            @pl.when(j + NBUF < MAXC)
            def _():
                gather(j + NBUF, s)

        return carry

    lax.fori_loop(0, MAXC // NBUF, body, 0)


_COPY_BLK = 5000


def _tc_copy_body(src_ref, dst_ref):
    dst_ref[...] = src_ref[...]


def _tc_copy(x):
    return pl.pallas_call(
        _tc_copy_body,
        out_shape=jax.ShapeDtypeStruct((N, H), jnp.float32),
        grid=(N // _COPY_BLK,),
        in_specs=[pl.BlockSpec((_COPY_BLK, H), lambda i: (i, 0))],
        out_specs=pl.BlockSpec((_COPY_BLK, H), lambda i: (i, 0)),
    )(x)


def kernel(ids, layer_num, h_skip, hps, embed_weight):
    out = _sc_gather(embed_weight, ids.astype(jnp.int32))
    return (out, _tc_copy(h_skip))

# --- scband reference (transcript-rebuilt; emitter-appended) ---
"""Pipeline reference for scband-embed-layer-85942295593551 (READ-ONLY COPY).

The authoritative reference and input builder live on the scoring server;
editing this copy changes nothing except your own understanding.
"""

import jax, jax.numpy as jnp
import numpy as np

N_NODES = 50000
H_DIM = 256

def setup_inputs(seed: int = 0) -> dict:
    key = jax.random.key(seed)
    k_ids, k_skip, k_tab = jax.random.split(key, 3)
    ids = jax.random.randint(k_ids, (N_NODES,), 0, N_NODES, dtype=jnp.int64 if jax.config.jax_enable_x64 else jnp.int32)
    h_skip = jax.random.normal(k_skip, (N_NODES, H_DIM), dtype=jnp.float32)
    # learned parameter: embedding table, nn.Embedding default init ~ N(0,1)
    embed_weight = jax.random.normal(k_tab, (N_NODES, H_DIM), dtype=jnp.float32)
    layer_num = 0
    hps = 0
    return {"ids": ids, "layer_num": layer_num, "h_skip": h_skip, "hps": hps, "embed_weight": embed_weight}

def reference(ids, layer_num, h_skip, hps, embed_weight):
    # Faithful translation of Embed_Layer.forward:
    #   ids = g.ndata['id']; h = self.embed(ids); g.ndata['h'] = h; return (g.ndata['h'], h_skip)
    h = jnp.take(embed_weight, ids, axis=0)
    return (h, h_skip)

if __name__ == "__main__":
    import jax
    _d = setup_inputs()
    print(jax.jit(kernel)(*tuple(_d.values())))

</pallas_src>

<mosaic_0001>
#map = affine_map<(d0, d1) -> (0, 0)>
#map1 = affine_map<(d0, d1) -> (0)>
module attributes {stable_mosaic.version = 14 : i64} {
  func.func @_sc_gather(%arg0: i32, %arg1: i32, %arg2: memref<50000x256xf32, #tpu.memory_space<hbm>>, %arg3: memref<50000xi32, #tpu.memory_space<hbm>>, %arg4: memref<50000x256xf32, #tpu.memory_space<hbm>>, %arg5: memref<1600xi32, #tpu.memory_space<vmem>>, %arg6: memref<5x80x256xf32, #tpu.memory_space<vmem>>, %arg7: memref<5x!tpu.dma_semaphore, #tpu.memory_space<semaphore_mem>>, %arg8: memref<5x!tpu.dma_semaphore, #tpu.memory_space<semaphore_mem>>) attributes {dimension_semantics = [#tpu.dimension_semantics<core_parallel>, #tpu.dimension_semantics<subcore_parallel>], iteration_bounds = array<i64: 2, 16>, scalar_prefetch = 0 : i64, scratch_operands = 4 : i64, tpu.core_type = #tpu.core_type<sc_vector_subcore>, window_params = [{transform_indices = #map}, {transform_indices = #map1}, {transform_indices = #map}]} {
    %mul3A = arith.constant 2 : i32
    %mul3A_0 = arith.muli %arg1, %mul3A : i32
    %add3A = arith.addi %mul3A_0, %arg0 : i32
    %lt3A = arith.constant 17 : i32
    %lt3A_1 = arith.cmpi slt, %add3A, %lt3A : i32
    %jit3A = arith.constant 20 : i32
    %jit3A_2 = arith.constant 19 : i32
    %select_n3A = arith.select %lt3A_1, %jit3A, %jit3A_2 : i32
    %lt3A_3 = arith.constant 17 : i32
    %lt3A_4 = arith.cmpi slt, %add3A, %lt3A_3 : i32
    %mul3A_5 = arith.constant 20 : i32
    %mul3A_6 = arith.muli %mul3A_5, %add3A : i32
    %sub3A = arith.constant 17 : i32
    %sub3A_7 = arith.subi %add3A, %sub3A : i32
    %mul3A_8 = arith.constant 19 : i32
    %mul3A_9 = arith.muli %mul3A_8, %sub3A_7 : i32
    %add3A_10 = arith.constant 340 : i32
    %add3A_11 = arith.addi %add3A_10, %mul3A_9 : i32
    %select_n3A_12 = arith.select %lt3A_4, %mul3A_6, %add3A_11 : i32
    %mul3A_13 = arith.constant 80 : i32
    %mul3A_14 = arith.muli %select_n3A_12, %mul3A_13 : i32
    "tpu.region"() ({
      %run_scoped3A = tpu.sem_alloc : memref<!tpu.dma_semaphore, #tpu.memory_space<semaphore_mem>>
      %dma_start3A_93 = arith.constant 0 : i32
      %dma_start3A_94 = tpu.memref_slice %arg5[%dma_start3A_93] : memref<1600xi32, #tpu.memory_space<vmem>> -> memref<400xi32, #tpu.memory_space<vmem>>
      %dma_start3A_95 = tpu.memref_slice %arg3[%mul3A_14] : memref<50000xi32, #tpu.memory_space<hbm>> -> memref<400xi32, #tpu.memory_space<hbm>>
      %dma_start3A_96 = arith.constant 0 : i32
      %dma_start3A_97 = tpu.memref_slice %arg5[%dma_start3A_96] : memref<1600xi32, #tpu.memory_space<vmem>> -> memref<400xi32, #tpu.memory_space<vmem>>
      %dma_start3A_98 = tpu.memref_slice %arg3[%mul3A_14] : memref<50000xi32, #tpu.memory_space<hbm>> -> memref<400xi32, #tpu.memory_space<hbm>>
      tpu.enqueue_dma source(%dma_start3A_98 : memref<400xi32, #tpu.memory_space<hbm>>) target(%dma_start3A_97 : memref<400xi32, #tpu.memory_space<vmem>>) target_semaphore(%run_scoped3A : memref<!tpu.dma_semaphore, #tpu.memory_space<semaphore_mem>>)
      %dma_wait3A = arith.constant 0 : i32
      %dma_wait3A_99 = tpu.memref_slice %arg5[%dma_wait3A] : memref<1600xi32, #tpu.memory_space<vmem>> -> memref<400xi32, #tpu.memory_space<vmem>>
      %dma_wait3A_100 = tpu.memref_slice %arg3[%mul3A_14] : memref<50000xi32, #tpu.memory_space<hbm>> -> memref<400xi32, #tpu.memory_space<hbm>>
      %dma_wait3A_101 = arith.constant 0 : i32
      %dma_wait3A_102 = tpu.memref_slice %arg5[%dma_wait3A_101] : memref<1600xi32, #tpu.memory_space<vmem>> -> memref<400xi32, #tpu.memory_space<vmem>>
      %dma_wait3A_103 = tpu.memref_slice %arg3[%mul3A_14] : memref<50000xi32, #tpu.memory_space<hbm>> -> memref<400xi32, #tpu.memory_space<hbm>>
      tpu.wait_dma2 semaphore(%run_scoped3A : memref<!tpu.dma_semaphore, #tpu.memory_space<semaphore_mem>>) src(%dma_wait3A_103 : memref<400xi32, #tpu.memory_space<hbm>>) dst(%dma_wait3A_102 : memref<400xi32, #tpu.memory_space<vmem>>)
      tpu.yield
    }) : () -> ()
    %dma_start3A = arith.constant 0 : i32
    %dma_start3A_15 = arith.constant 0 : i32
    %dma_start3A_16 = arith.constant 0 : i32
    %dma_start3A_17 = arith.constant 0 : i32
    %dma_start3A_18 = tpu.memref_slice %arg6[%dma_start3A, %dma_start3A_16, %dma_start3A_17] : memref<5x80x256xf32, #tpu.memory_space<vmem>> -> memref<1x80x256xf32, #tpu.memory_space<vmem>>
    %dma_start3A_19 = tpu.memref_squeeze %dma_start3A_18 : memref<1x80x256xf32, #tpu.memory_space<vmem>> -> memref<80x256xf32, #tpu.memory_space<vmem>>
    %dma_start3A_20 = arith.constant 0 : i32
    %dma_start3A_21 = tpu.memref_slice %arg5[%dma_start3A_20] : memref<1600xi32, #tpu.memory_space<vmem>> -> memref<80xi32, #tpu.memory_space<vmem>>
    %dma_start3A_22 = arith.constant 0 : i32
    %dma_start3A_23 = arith.constant 0 : i32
    %dma_start3A_24 = tpu.memref_slice %arg2[%dma_start3A_22, %dma_start3A_23] : memref<50000x256xf32, #tpu.memory_space<hbm>> -> memref<50000x256xf32, #tpu.memory_space<hbm>>
    %dma_start3A_25 = tpu.memref_slice %arg7[%dma_start3A_15] : memref<5x!tpu.dma_semaphore, #tpu.memory_space<semaphore_mem>> -> memref<1x!tpu.dma_semaphore, #tpu.memory_space<semaphore_mem>>
    %dma_start3A_26 = tpu.memref_squeeze %dma_start3A_25 : memref<1x!tpu.dma_semaphore, #tpu.memory_space<semaphore_mem>> -> memref<!tpu.dma_semaphore, #tpu.memory_space<semaphore_mem>>
    tpu.enqueue_indirect_dma source(%dma_start3A_24 : memref<50000x256xf32, #tpu.memory_space<hbm>>) target(%dma_start3A_19 : memref<80x256xf32, #tpu.memory_space<vmem>>) offsets(%dma_start3A_21 : memref<80xi32, #tpu.memory_space<vmem>>) semaphore(%dma_start3A_26 : memref<!tpu.dma_semaphore, #tpu.memory_space<semaphore_mem>>)
    %dma_start3A_27 = arith.constant 1 : i32
    %dma_start3A_28 = arith.constant 1 : i32
    %dma_start3A_29 = arith.constant 0 : i32
    %dma_start3A_30 = arith.constant 0 : i32
    %dma_start3A_31 = tpu.memref_slice %arg6[%dma_start3A_27, %dma_start3A_29, %dma_start3A_30] : memref<5x80x256xf32, #tpu.memory_space<vmem>> -> memref<1x80x256xf32, #tpu.memory_space<vmem>>
    %dma_start3A_32 = tpu.memref_squeeze %dma_start3A_31 : memref<1x80x256xf32, #tpu.memory_space<vmem>> -> memref<80x256xf32, #tpu.memory_space<vmem>>
    %dma_start3A_33 = arith.constant 80 : i32
    %dma_start3A_34 = tpu.memref_slice %arg5[%dma_start3A_33] : memref<1600xi32, #tpu.memory_space<vmem>> -> memref<80xi32, #tpu.memory_space<vmem>>
    %dma_start3A_35 = arith.constant 0 : i32
    %dma_start3A_36 = arith.constant 0 : i32
    %dma_start3A_37 = tpu.memref_slice %arg2[%dma_start3A_35, %dma_start3A_36] : memref<50000x256xf32, #tpu.memory_space<hbm>> -> memref<50000x256xf32, #tpu.memory_space<hbm>>
    %dma_start3A_38 = tpu.memref_slice %arg7[%dma_start3A_28] : memref<5x!tpu.dma_semaphore, #tpu.memory_space<semaphore_mem>> -> memref<1x!tpu.dma_semaphore, #tpu.memory_space<semaphore_mem>>
    %dma_start3A_39 = tpu.memref_squeeze %dma_start3A_38 : memref<1x!tpu.dma_semaphore, #tpu.memory_space<semaphore_mem>> -> memref<!tpu.dma_semaphore, #tpu.memory_space<semaphore_mem>>
    tpu.enqueue_indirect_dma source(%dma_start3A_37 : memref<50000x256xf32, #tpu.memory_space<hbm>>) target(%dma_start3A_32 : memref<80x256xf32, #tpu.memory_space<vmem>>) offsets(%dma_start3A_34 : memref<80xi32, #tpu.memory_space<vmem>>) semaphore(%dma_start3A_39 : memref<!tpu.dma_semaphore, #tpu.memory_space<semaphore_mem>>)
    %dma_start3A_40 = arith.constant 2 : i32
    %dma_start3A_41 = arith.constant 2 : i32
    %dma_start3A_42 = arith.constant 0 : i32
    %dma_start3A_43 = arith.constant 0 : i32
    %dma_start3A_44 = tpu.memref_slice %arg6[%dma_start3A_40, %dma_start3A_42, %dma_start3A_43] : memref<5x80x256xf32, #tpu.memory_space<vmem>> -> memref<1x80x256xf32, #tpu.memory_space<vmem>>
    %dma_start3A_45 = tpu.memref_squeeze %dma_start3A_44 : memref<1x80x256xf32, #tpu.memory_space<vmem>> -> memref<80x256xf32, #tpu.memory_space<vmem>>
    %dma_start3A_46 = arith.constant 160 : i32
    %dma_start3A_47 = tpu.memref_slice %arg5[%dma_start3A_46] : memref<1600xi32, #tpu.memory_space<vmem>> -> memref<80xi32, #tpu.memory_space<vmem>>
    %dma_start3A_48 = arith.constant 0 : i32
    %dma_start3A_49 = arith.constant 0 : i32
    %dma_start3A_50 = tpu.memref_slice %arg2[%dma_start3A_48, %dma_start3A_49] : memref<50000x256xf32, #tpu.memory_space<hbm>> -> memref<50000x256xf32, #tpu.memory_space<hbm>>
    %dma_start3A_51 = tpu.memref_slice %arg7[%dma_start3A_41] : memref<5x!tpu.dma_semaphore, #tpu.memory_space<semaphore_mem>> -> memref<1x!tpu.dma_semaphore, #tpu.memory_space<semaphore_mem>>
    %dma_start3A_52 = tpu.memref_squeeze %dma_start3A_51 : memref<1x!tpu.dma_semaphore, #tpu.memory_space<semaphore_mem>> -> memref<!tpu.dma_semaphore, #tpu.memory_space<semaphore_mem>>
    tpu.enqueue_indirect_dma source(%dma_start3A_50 : memref<50000x256xf32, #tpu.memory_space<hbm>>) target(%dma_start3A_45 : memref<80x256xf32, #tpu.memory_space<vmem>>) offsets(%dma_start3A_47 : memref<80xi32, #tpu.memory_space<vmem>>) semaphore(%dma_start3A_52 : memref<!tpu.dma_semaphore, #tpu.memory_space<semaphore_mem>>)
    %dma_start3A_53 = arith.constant 3 : i32
    %dma_start3A_54 = arith.constant 3 : i32
    %dma_start3A_55 = arith.constant 0 : i32
    %dma_start3A_56 = arith.constant 0 : i32
    %dma_start3A_57 = tpu.memref_slice %arg6[%dma_start3A_53, %dma_start3A_55, %dma_start3A_56] : memref<5x80x256xf32, #tpu.memory_space<vmem>> -> memref<1x80x256xf32, #tpu.memory_space<vmem>>
    %dma_start3A_58 = tpu.memref_squeeze %dma_start3A_57 : memref<1x80x256xf32, #tpu.memory_space<vmem>> -> memref<80x256xf32, #tpu.memory_space<vmem>>
    %dma_start3A_59 = arith.constant 240 : i32
    %dma_start3A_60 = tpu.memref_slice %arg5[%dma_start3A_59] : memref<1600xi32, #tpu.memory_space<vmem>> -> memref<80xi32, #tpu.memory_space<vmem>>
    %dma_start3A_61 = arith.constant 0 : i32
    %dma_start3A_62 = arith.constant 0 : i32
    %dma_start3A_63 = tpu.memref_slice %arg2[%dma_start3A_61, %dma_start3A_62] : memref<50000x256xf32, #tpu.memory_space<hbm>> -> memref<50000x256xf32, #tpu.memory_space<hbm>>
    %dma_start3A_64 = tpu.memref_slice %arg7[%dma_start3A_54] : memref<5x!tpu.dma_semaphore, #tpu.memory_space<semaphore_mem>> -> memref<1x!tpu.dma_semaphore, #tpu.memory_space<semaphore_mem>>
    %dma_start3A_65 = tpu.memref_squeeze %dma_start3A_64 : memref<1x!tpu.dma_semaphore, #tpu.memory_space<semaphore_mem>> -> memref<!tpu.dma_semaphore, #tpu.memory_space<semaphore_mem>>
    tpu.enqueue_indirect_dma source(%dma_start3A_63 : memref<50000x256xf32, #tpu.memory_space<hbm>>) target(%dma_start3A_58 : memref<80x256xf32, #tpu.memory_space<vmem>>) offsets(%dma_start3A_60 : memref<80xi32, #tpu.memory_space<vmem>>) semaphore(%dma_start3A_65 : memref<!tpu.dma_semaphore, #tpu.memory_space<semaphore_mem>>)
    %dma_start3A_66 = arith.constant 4 : i32
    %dma_start3A_67 = arith.constant 4 : i32
    %dma_start3A_68 = arith.constant 0 : i32
    %dma_start3A_69 = arith.constant 0 : i32
    %dma_start3A_70 = tpu.memref_slice %arg6[%dma_start3A_66, %dma_start3A_68, %dma_start3A_69] : memref<5x80x256xf32, #tpu.memory_space<vmem>> -> memref<1x80x256xf32, #tpu.memory_space<vmem>>
    %dma_start3A_71 = tpu.memref_squeeze %dma_start3A_70 : memref<1x80x256xf32, #tpu.memory_space<vmem>> -> memref<80x256xf32, #tpu.memory_space<vmem>>
    %dma_start3A_72 = arith.constant 320 : i32
    %dma_start3A_73 = tpu.memref_slice %arg5[%dma_start3A_72] : memref<1600xi32, #tpu.memory_space<vmem>> -> memref<80xi32, #tpu.memory_space<vmem>>
    %dma_start3A_74 = arith.constant 0 : i32
    %dma_start3A_75 = arith.constant 0 : i32
    %dma_start3A_76 = tpu.memref_slice %arg2[%dma_start3A_74, %dma_start3A_75] : memref<50000x256xf32, #tpu.memory_space<hbm>> -> memref<50000x256xf32, #tpu.memory_space<hbm>>
    %dma_start3A_77 = tpu.memref_slice %arg7[%dma_start3A_67] : memref<5x!tpu.dma_semaphore, #tpu.memory_space<semaphore_mem>> -> memref<1x!tpu.dma_semaphore, #tpu.memory_space<semaphore_mem>>
    %dma_start3A_78 = tpu.memref_squeeze %dma_start3A_77 : memref<1x!tpu.dma_semaphore, #tpu.memory_space<semaphore_mem>> -> memref<!tpu.dma_semaphore, #tpu.memory_space<semaphore_mem>>
    tpu.enqueue_indirect_dma source(%dma_start3A_76 : memref<50000x256xf32, #tpu.memory_space<hbm>>) target(%dma_start3A_71 : memref<80x256xf32, #tpu.memory_space<vmem>>) offsets(%dma_start3A_73 : memref<80xi32, #tpu.memory_space<vmem>>) semaphore(%dma_start3A_78 : memref<!tpu.dma_semaphore, #tpu.memory_space<semaphore_mem>>)
    %add3A_79 = arith.constant 5 : i32
    %add3A_80 = arith.addi %select_n3A_12, %add3A_79 : i32
    %mul3A_81 = arith.constant 80 : i32
    %mul3A_82 = arith.muli %add3A_80, %mul3A_81 : i32
    "tpu.region"() ({
      %run_scoped3A = tpu.sem_alloc : memref<!tpu.dma_semaphore, #tpu.memory_space<semaphore_mem>>
      %dma_start3A_93 = arith.constant 400 : i32
      %dma_start3A_94 = tpu.memref_slice %arg5[%dma_start3A_93] : memref<1600xi32, #tpu.memory_space<vmem>> -> memref<1120xi32, #tpu.memory_space<vmem>>
      %dma_start3A_95 = tpu.memref_slice %arg3[%mul3A_82] : memref<50000xi32, #tpu.memory_space<hbm>> -> memref<1120xi32, #tpu.memory_space<hbm>>
      %dma_start3A_96 = arith.constant 400 : i32
      %dma_start3A_97 = tpu.memref_slice %arg5[%dma_start3A_96] : memref<1600xi32, #tpu.memory_space<vmem>> -> memref<1120xi32, #tpu.memory_space<vmem>>
      %dma_start3A_98 = tpu.memref_slice %arg3[%mul3A_82] : memref<50000xi32, #tpu.memory_space<hbm>> -> memref<1120xi32, #tpu.memory_space<hbm>>
      tpu.enqueue_dma source(%dma_start3A_98 : memref<1120xi32, #tpu.memory_space<hbm>>) target(%dma_start3A_97 : memref<1120xi32, #tpu.memory_space<vmem>>) target_semaphore(%run_scoped3A : memref<!tpu.dma_semaphore, #tpu.memory_space<semaphore_mem>>)
      %dma_wait3A = arith.constant 400 : i32
      %dma_wait3A_99 = tpu.memref_slice %arg5[%dma_wait3A] : memref<1600xi32, #tpu.memory_space<vmem>> -> memref<1120xi32, #tpu.memory_space<vmem>>
      %dma_wait3A_100 = tpu.memref_slice %arg3[%mul3A_82] : memref<50000xi32, #tpu.memory_space<hbm>> -> memref<1120xi32, #tpu.memory_space<hbm>>
      %dma_wait3A_101 = arith.constant 400 : i32
      %dma_wait3A_102 = tpu.memref_slice %arg5[%dma_wait3A_101] : memref<1600xi32, #tpu.memory_space<vmem>> -> memref<1120xi32, #tpu.memory_space<vmem>>
      %dma_wait3A_103 = tpu.memref_slice %arg3[%mul3A_82] : memref<50000xi32, #tpu.memory_space<hbm>> -> memref<1120xi32, #tpu.memory_space<hbm>>
      tpu.wait_dma2 semaphore(%run_scoped3A : memref<!tpu.dma_semaphore, #tpu.memory_space<semaphore_mem>>) src(%dma_wait3A_103 : memref<1120xi32, #tpu.memory_space<hbm>>) dst(%dma_wait3A_102 : memref<1120xi32, #tpu.memory_space<vmem>>)
      tpu.yield
    }) : () -> ()
    %add3A_83 = arith.addi %select_n3A_12, %select_n3A : i32
    %sub3A_84 = arith.constant 1 : i32
    %sub3A_85 = arith.subi %add3A_83, %sub3A_84 : i32
    %mul3A_86 = arith.constant 80 : i32
    %mul3A_87 = arith.muli %sub3A_85, %mul3A_86 : i32
    "tpu.region"() ({
      %run_scoped3A = tpu.sem_alloc : memref<!tpu.dma_semaphore, #tpu.memory_space<semaphore_mem>>
      %dma_start3A_93 = arith.constant 1520 : i32
      %dma_start3A_94 = tpu.memref_slice %arg5[%dma_start3A_93] : memref<1600xi32, #tpu.memory_space<vmem>> -> memref<80xi32, #tpu.memory_space<vmem>>
      %dma_start3A_95 = tpu.memref_slice %arg3[%mul3A_87] : memref<50000xi32, #tpu.memory_space<hbm>> -> memref<80xi32, #tpu.memory_space<hbm>>
      %dma_start3A_96 = arith.constant 1520 : i32
      %dma_start3A_97 = tpu.memref_slice %arg5[%dma_start3A_96] : memref<1600xi32, #tpu.memory_space<vmem>> -> memref<80xi32, #tpu.memory_space<vmem>>
      %dma_start3A_98 = tpu.memref_slice %arg3[%mul3A_87] : memref<50000xi32, #tpu.memory_space<hbm>> -> memref<80xi32, #tpu.memory_space<hbm>>
      tpu.enqueue_dma source(%dma_start3A_98 : memref<80xi32, #tpu.memory_space<hbm>>) target(%dma_start3A_97 : memref<80xi32, #tpu.memory_space<vmem>>) target_semaphore(%run_scoped3A : memref<!tpu.dma_semaphore, #tpu.memory_space<semaphore_mem>>)
      %dma_wait3A = arith.constant 1520 : i32
      %dma_wait3A_99 = tpu.memref_slice %arg5[%dma_wait3A] : memref<1600xi32, #tpu.memory_space<vmem>> -> memref<80xi32, #tpu.memory_space<vmem>>
      %dma_wait3A_100 = tpu.memref_slice %arg3[%mul3A_87] : memref<50000xi32, #tpu.memory_space<hbm>> -> memref<80xi32, #tpu.memory_space<hbm>>
      %dma_wait3A_101 = arith.constant 1520 : i32
      %dma_wait3A_102 = tpu.memref_slice %arg5[%dma_wait3A_101] : memref<1600xi32, #tpu.memory_space<vmem>> -> memref<80xi32, #tpu.memory_space<vmem>>
      %dma_wait3A_103 = tpu.memref_slice %arg3[%mul3A_87] : memref<50000xi32, #tpu.memory_space<hbm>> -> memref<80xi32, #tpu.memory_space<hbm>>
      tpu.wait_dma2 semaphore(%run_scoped3A : memref<!tpu.dma_semaphore, #tpu.memory_space<semaphore_mem>>) src(%dma_wait3A_103 : memref<80xi32, #tpu.memory_space<hbm>>) dst(%dma_wait3A_102 : memref<80xi32, #tpu.memory_space<vmem>>)
      tpu.yield
    }) : () -> ()
    %scan3A = arith.constant 0 : i32
    %scan3A_88 = arith.constant 0 : i32
    %scan3A_89 = arith.constant 4 : i32
    %scan3A_90 = arith.addi %scan3A_88, %scan3A_89 : i32
    %scan3A_91 = arith.constant 1 : i32
    scf.for %scan3A_93 = %scan3A_88 to %scan3A_90 step %scan3A_91  : i32 {
      %mul3A_94 = arith.constant 5 : i32
      %mul3A_95 = arith.muli %mul3A_94, %scan3A_93 : i32
      %add3A_96 = arith.constant 0 : i32
      %add3A_97 = arith.addi %mul3A_95, %add3A_96 : i32
      %mul3A_98 = arith.constant 80 : i32
      %mul3A_99 = arith.muli %add3A_97, %mul3A_98 : i32
      %dma_wait3A = arith.constant 0 : i32
      %dma_wait3A_100 = arith.constant 0 : i32
      %dma_wait3A_101 = arith.constant 0 : i32
      %dma_wait3A_102 = arith.constant 0 : i32
      %dma_wait3A_103 = tpu.memref_slice %arg6[%dma_wait3A, %dma_wait3A_101, %dma_wait3A_102] : memref<5x80x256xf32, #tpu.memory_space<vmem>> -> memref<1x80x256xf32, #tpu.memory_space<vmem>>
      %dma_wait3A_104 = tpu.memref_squeeze %dma_wait3A_103 : memref<1x80x256xf32, #tpu.memory_space<vmem>> -> memref<80x256xf32, #tpu.memory_space<vmem>>
      %dma_wait3A_105 = tpu.memref_slice %arg5[%mul3A_99] : memref<1600xi32, #tpu.memory_space<vmem>> -> memref<80xi32, #tpu.memory_space<vmem>>
      %dma_wait3A_106 = arith.constant 0 : i32
      %dma_wait3A_107 = arith.constant 0 : i32
      %dma_wait3A_108 = tpu.memref_slice %arg2[%dma_wait3A_106, %dma_wait3A_107] : memref<50000x256xf32, #tpu.memory_space<hbm>> -> memref<50000x256xf32, #tpu.memory_space<hbm>>
      %dma_wait3A_109 = tpu.memref_slice %arg7[%dma_wait3A_100] : memref<5x!tpu.dma_semaphore, #tpu.memory_space<semaphore_mem>> -> memref<1x!tpu.dma_semaphore, #tpu.memory_space<semaphore_mem>>
      %dma_wait3A_110 = tpu.memref_squeeze %dma_wait3A_109 : memref<1x!tpu.dma_semaphore, #tpu.memory_space<semaphore_mem>> -> memref<!tpu.dma_semaphore, #tpu.memory_space<semaphore_mem>>
      tpu.wait_indirect_dma semaphore(%dma_wait3A_110 : memref<!tpu.dma_semaphore, #tpu.memory_space<semaphore_mem>>) src(%dma_wait3A_108 : memref<50000x256xf32, #tpu.memory_space<hbm>>) dst(%dma_wait3A_104 : memref<80x256xf32, #tpu.memory_space<vmem>>)
      %lt3A_111 = arith.cmpi slt, %add3A_97, %select_n3A : i32
      %convert_element_type3A = arith.extui %lt3A_111 : i1 to i32
      %cond3A = arith.constant 0 : i32
      %cond3A_112 = arith.cmpi ne, %convert_element_type3A, %cond3A : i32
      scf.if %cond3A_112 {
        %add3A_276 = arith.addi %select_n3A_12, %add3A_97 : i32
        %mul3A_277 = arith.constant 80 : i32
        %mul3A_278 = arith.muli %add3A_276, %mul3A_277 : i32
        %dma_start3A_279 = arith.constant 0 : i32
        %dma_start3A_280 = arith.constant 0 : i32
        %dma_start3A_281 = arith.constant 0 : i32
        %dma_start3A_282 = arith.constant 0 : i32
        %dma_start3A_283 = tpu.memref_slice %arg6[%dma_start3A_279, %dma_start3A_281, %dma_start3A_282] : memref<5x80x256xf32, #tpu.memory_space<vmem>> -> memref<1x80x256xf32, #tpu.memory_space<vmem>>
        %dma_start3A_284 = tpu.memref_squeeze %dma_start3A_283 : memref<1x80x256xf32, #tpu.memory_space<vmem>> -> memref<80x256xf32, #tpu.memory_space<vmem>>
        %dma_start3A_285 = arith.constant 0 : i32
        %dma_start3A_286 = tpu.memref_slice %arg4[%mul3A_278, %dma_start3A_285] : memref<50000x256xf32, #tpu.memory_space<hbm>> -> memref<80x256xf32, #tpu.memory_space<hbm>>
        %dma_start3A_287 = tpu.memref_slice %arg8[%dma_start3A_280] : memref<5x!tpu.dma_semaphore, #tpu.memory_space<semaphore_mem>> -> memref<1x!tpu.dma_semaphore, #tpu.memory_space<semaphore_mem>>
        %dma_start3A_288 = tpu.memref_squeeze %dma_start3A_287 : memref<1x!tpu.dma_semaphore, #tpu.memory_space<semaphore_mem>> -> memref<!tpu.dma_semaphore, #tpu.memory_space<semaphore_mem>>
        %dma_start3A_289 = arith.constant 0 : i32
        %dma_start3A_290 = tpu.memref_slice %arg4[%mul3A_278, %dma_start3A_289] : memref<50000x256xf32, #tpu.memory_space<hbm>> -> memref<80x256xf32, #tpu.memory_space<hbm>>
        %dma_start3A_291 = arith.constant 0 : i32
        %dma_start3A_292 = arith.constant 0 : i32
        %dma_start3A_293 = tpu.memref_slice %arg6[%dma_start3A_279, %dma_start3A_291, %dma_start3A_292] : memref<5x80x256xf32, #tpu.memory_space<vmem>> -> memref<1x80x256xf32, #tpu.memory_space<vmem>>
        %dma_start3A_294 = tpu.memref_squeeze %dma_start3A_293 : memref<1x80x256xf32, #tpu.memory_space<vmem>> -> memref<80x256xf32, #tpu.memory_space<vmem>>
        tpu.enqueue_dma source(%dma_start3A_294 : memref<80x256xf32, #tpu.memory_space<vmem>>) target(%dma_start3A_290 : memref<80x256xf32, #tpu.memory_space<hbm>>) target_semaphore(%dma_start3A_288 : memref<!tpu.dma_semaphore, #tpu.memory_space<semaphore_mem>>)
      } else {
      }
      %mul3A_113 = arith.constant 5 : i32
      %mul3A_114 = arith.muli %mul3A_113, %scan3A_93 : i32
      %add3A_115 = arith.constant 1 : i32
      %add3A_116 = arith.addi %mul3A_114, %add3A_115 : i32
      %mul3A_117 = arith.constant 80 : i32
      %mul3A_118 = arith.muli %add3A_116, %mul3A_117 : i32
      %dma_wait3A_119 = arith.constant 1 : i32
      %dma_wait3A_120 = arith.constant 1 : i32
      %dma_wait3A_121 = arith.constant 0 : i32
      %dma_wait3A_122 = arith.constant 0 : i32
      %dma_wait3A_123 = tpu.memref_slice %arg6[%dma_wait3A_119, %dma_wait3A_121, %dma_wait3A_122] : memref<5x80x256xf32, #tpu.memory_space<vmem>> -> memref<1x80x256xf32, #tpu.memory_space<vmem>>
      %dma_wait3A_124 = tpu.memref_squeeze %dma_wait3A_123 : memref<1x80x256xf32, #tpu.memory_space<vmem>> -> memref<80x256xf32, #tpu.memory_space<vmem>>
      %dma_wait3A_125 = tpu.memref_slice %arg5[%mul3A_118] : memref<1600xi32, #tpu.memory_space<vmem>> -> memref<80xi32, #tpu.memory_space<vmem>>
      %dma_wait3A_126 = arith.constant 0 : i32
      %dma_wait3A_127 = arith.constant 0 : i32
      %dma_wait3A_128 = tpu.memref_slice %arg2[%dma_wait3A_126, %dma_wait3A_127] : memref<50000x256xf32, #tpu.memory_space<hbm>> -> memref<50000x256xf32, #tpu.memory_space<hbm>>
      %dma_wait3A_129 = tpu.memref_slice %arg7[%dma_wait3A_120] : memref<5x!tpu.dma_semaphore, #tpu.memory_space<semaphore_mem>> -> memref<1x!tpu.dma_semaphore, #tpu.memory_space<semaphore_mem>>
      %dma_wait3A_130 = tpu.memref_squeeze %dma_wait3A_129 : memref<1x!tpu.dma_semaphore, #tpu.memory_space<semaphore_mem>> -> memref<!tpu.dma_semaphore, #tpu.memory_space<semaphore_mem>>
      tpu.wait_indirect_dma semaphore(%dma_wait3A_130 : memref<!tpu.dma_semaphore, #tpu.memory_space<semaphore_mem>>) src(%dma_wait3A_128 : memref<50000x256xf32, #tpu.memory_space<hbm>>) dst(%dma_wait3A_124 : memref<80x256xf32, #tpu.memory_space<vmem>>)
      %lt3A_131 = arith.cmpi slt, %add3A_116, %select_n3A : i32
      %convert_element_type3A_132 = arith.extui %lt3A_131 : i1 to i32
      %cond3A_133 = arith.constant 0 : i32
      %cond3A_134 = arith.cmpi ne, %convert_element_type3A_132, %cond3A_133 : i32
      scf.if %cond3A_134 {
        %add3A_276 = arith.addi %select_n3A_12, %add3A_116 : i32
        %mul3A_277 = arith.constant 80 : i32
        %mul3A_278 = arith.muli %add3A_276, %mul3A_277 : i32
        %dma_start3A_279 = arith.constant 1 : i32
        %dma_start3A_280 = arith.constant 1 : i32
        %dma_start3A_281 = arith.constant 0 : i32
        %dma_start3A_282 = arith.constant 0 : i32
        %dma_start3A_283 = tpu.memref_slice %arg6[%dma_start3A_279, %dma_start3A_281, %dma_start3A_282] : memref<5x80x256xf32, #tpu.memory_space<vmem>> -> memref<1x80x256xf32, #tpu.memory_space<vmem>>
        %dma_start3A_284 = tpu.memref_squeeze %dma_start3A_283 : memref<1x80x256xf32, #tpu.memory_space<vmem>> -> memref<80x256xf32, #tpu.memory_space<vmem>>
        %dma_start3A_285 = arith.constant 0 : i32
        %dma_start3A_286 = tpu.memref_slice %arg4[%mul3A_278, %dma_start3A_285] : memref<50000x256xf32, #tpu.memory_space<hbm>> -> memref<80x256xf32, #tpu.memory_space<hbm>>
        %dma_start3A_287 = tpu.memref_slice %arg8[%dma_start3A_280] : memref<5x!tpu.dma_semaphore, #tpu.memory_space<semaphore_mem>> -> memref<1x!tpu.dma_semaphore, #tpu.memory_space<semaphore_mem>>
        %dma_start3A_288 = tpu.memref_squeeze %dma_start3A_287 : memref<1x!tpu.dma_semaphore, #tpu.memory_space<semaphore_mem>> -> memref<!tpu.dma_semaphore, #tpu.memory_space<semaphore_mem>>
        %dma_start3A_289 = arith.constant 0 : i32
        %dma_start3A_290 = tpu.memref_slice %arg4[%mul3A_278, %dma_start3A_289] : memref<50000x256xf32, #tpu.memory_space<hbm>> -> memref<80x256xf32, #tpu.memory_space<hbm>>
        %dma_start3A_291 = arith.constant 0 : i32
        %dma_start3A_292 = arith.constant 0 : i32
        %dma_start3A_293 = tpu.memref_slice %arg6[%dma_start3A_279, %dma_start3A_291, %dma_start3A_292] : memref<5x80x256xf32, #tpu.memory_space<vmem>> -> memref<1x80x256xf32, #tpu.memory_space<vmem>>
        %dma_start3A_294 = tpu.memref_squeeze %dma_start3A_293 : memref<1x80x256xf32, #tpu.memory_space<vmem>> -> memref<80x256xf32, #tpu.memory_space<vmem>>
        tpu.enqueue_dma source(%dma_start3A_294 : memref<80x256xf32, #tpu.memory_space<vmem>>) target(%dma_start3A_290 : memref<80x256xf32, #tpu.memory_space<hbm>>) target_semaphore(%dma_start3A_288 : memref<!tpu.dma_semaphore, #tpu.memory_space<semaphore_mem>>)
      } else {
      }
      %mul3A_135 = arith.constant 5 : i32
      %mul3A_136 = arith.muli %mul3A_135, %scan3A_93 : i32
      %add3A_137 = arith.constant 2 : i32
      %add3A_138 = arith.addi %mul3A_136, %add3A_137 : i32
      %mul3A_139 = arith.constant 80 : i32
      %mul3A_140 = arith.muli %add3A_138, %mul3A_139 : i32
      %dma_wait3A_141 = arith.constant 2 : i32
      %dma_wait3A_142 = arith.constant 2 : i32
      %dma_wait3A_143 = arith.constant 0 : i32
      %dma_wait3A_144 = arith.constant 0 : i32
      %dma_wait3A_145 = tpu.memref_slice %arg6[%dma_wait3A_141, %dma_wait3A_143, %dma_wait3A_144] : memref<5x80x256xf32, #tpu.memory_space<vmem>> -> memref<1x80x256xf32, #tpu.memory_space<vmem>>
      %dma_wait3A_146 = tpu.memref_squeeze %dma_wait3A_145 : memref<1x80x256xf32, #tpu.memory_space<vmem>> -> memref<80x256xf32, #tpu.memory_space<vmem>>
      %dma_wait3A_147 = tpu.memref_slice %arg5[%mul3A_140] : memref<1600xi32, #tpu.memory_space<vmem>> -> memref<80xi32, #tpu.memory_space<vmem>>
      %dma_wait3A_148 = arith.constant 0 : i32
      %dma_wait3A_149 = arith.constant 0 : i32
      %dma_wait3A_150 = tpu.memref_slice %arg2[%dma_wait3A_148, %dma_wait3A_149] : memref<50000x256xf32, #tpu.memory_space<hbm>> -> memref<50000x256xf32, #tpu.memory_space<hbm>>
      %dma_wait3A_151 = tpu.memref_slice %arg7[%dma_wait3A_142] : memref<5x!tpu.dma_semaphore, #tpu.memory_space<semaphore_mem>> -> memref<1x!tpu.dma_semaphore, #tpu.memory_space<semaphore_mem>>
      %dma_wait3A_152 = tpu.memref_squeeze %dma_wait3A_151 : memref<1x!tpu.dma_semaphore, #tpu.memory_space<semaphore_mem>> -> memref<!tpu.dma_semaphore, #tpu.memory_space<semaphore_mem>>
      tpu.wait_indirect_dma semaphore(%dma_wait3A_152 : memref<!tpu.dma_semaphore, #tpu.memory_space<semaphore_mem>>) src(%dma_wait3A_150 : memref<50000x256xf32, #tpu.memory_space<hbm>>) dst(%dma_wait3A_146 : memref<80x256xf32, #tpu.memory_space<vmem>>)
      %lt3A_153 = arith.cmpi slt, %add3A_138, %select_n3A : i32
      %convert_element_type3A_154 = arith.extui %lt3A_153 : i1 to i32
      %cond3A_155 = arith.constant 0 : i32
      %cond3A_156 = arith.cmpi ne, %convert_element_type3A_154, %cond3A_155 : i32
      scf.if %cond3A_156 {
        %add3A_276 = arith.addi %select_n3A_12, %add3A_138 : i32
        %mul3A_277 = arith.constant 80 : i32
        %mul3A_278 = arith.muli %add3A_276, %mul3A_277 : i32
        %dma_start3A_279 = arith.constant 2 : i32
        %dma_start3A_280 = arith.constant 2 : i32
        %dma_start3A_281 = arith.constant 0 : i32
        %dma_start3A_282 = arith.constant 0 : i32
        %dma_start3A_283 = tpu.memref_slice %arg6[%dma_start3A_279, %dma_start3A_281, %dma_start3A_282] : memref<5x80x256xf32, #tpu.memory_space<vmem>> -> memref<1x80x256xf32, #tpu.memory_space<vmem>>
        %dma_start3A_284 = tpu.memref_squeeze %dma_start3A_283 : memref<1x80x256xf32, #tpu.memory_space<vmem>> -> memref<80x256xf32, #tpu.memory_space<vmem>>
        %dma_start3A_285 = arith.constant 0 : i32
        %dma_start3A_286 = tpu.memref_slice %arg4[%mul3A_278, %dma_start3A_285] : memref<50000x256xf32, #tpu.memory_space<hbm>> -> memref<80x256xf32, #tpu.memory_space<hbm>>
        %dma_start3A_287 = tpu.memref_slice %arg8[%dma_start3A_280] : memref<5x!tpu.dma_semaphore, #tpu.memory_space<semaphore_mem>> -> memref<1x!tpu.dma_semaphore, #tpu.memory_space<semaphore_mem>>
        %dma_start3A_288 = tpu.memref_squeeze %dma_start3A_287 : memref<1x!tpu.dma_semaphore, #tpu.memory_space<semaphore_mem>> -> memref<!tpu.dma_semaphore, #tpu.memory_space<semaphore_mem>>
        %dma_start3A_289 = arith.constant 0 : i32
        %dma_start3A_290 = tpu.memref_slice %arg4[%mul3A_278, %dma_start3A_289] : memref<50000x256xf32, #tpu.memory_space<hbm>> -> memref<80x256xf32, #tpu.memory_space<hbm>>
        %dma_start3A_291 = arith.constant 0 : i32
        %dma_start3A_292 = arith.constant 0 : i32
        %dma_start3A_293 = tpu.memref_slice %arg6[%dma_start3A_279, %dma_start3A_291, %dma_start3A_292] : memref<5x80x256xf32, #tpu.memory_space<vmem>> -> memref<1x80x256xf32, #tpu.memory_space<vmem>>
        %dma_start3A_294 = tpu.memref_squeeze %dma_start3A_293 : memref<1x80x256xf32, #tpu.memory_space<vmem>> -> memref<80x256xf32, #tpu.memory_space<vmem>>
        tpu.enqueue_dma source(%dma_start3A_294 : memref<80x256xf32, #tpu.memory_space<vmem>>) target(%dma_start3A_290 : memref<80x256xf32, #tpu.memory_space<hbm>>) target_semaphore(%dma_start3A_288 : memref<!tpu.dma_semaphore, #tpu.memory_space<semaphore_mem>>)
      } else {
      }
      %mul3A_157 = arith.constant 5 : i32
      %mul3A_158 = arith.muli %mul3A_157, %scan3A_93 : i32
      %add3A_159 = arith.constant 3 : i32
      %add3A_160 = arith.addi %mul3A_158, %add3A_159 : i32
      %mul3A_161 = arith.constant 80 : i32
      %mul3A_162 = arith.muli %add3A_160, %mul3A_161 : i32
      %dma_wait3A_163 = arith.constant 3 : i32
      %dma_wait3A_164 = arith.constant 3 : i32
      %dma_wait3A_165 = arith.constant 0 : i32
      %dma_wait3A_166 = arith.constant 0 : i32
      %dma_wait3A_167 = tpu.memref_slice %arg6[%dma_wait3A_163, %dma_wait3A_165, %dma_wait3A_166] : memref<5x80x256xf32, #tpu.memory_space<vmem>> -> memref<1x80x256xf32, #tpu.memory_space<vmem>>
      %dma_wait3A_168 = tpu.memref_squeeze %dma_wait3A_167 : memref<1x80x256xf32, #tpu.memory_space<vmem>> -> memref<80x256xf32, #tpu.memory_space<vmem>>
      %dma_wait3A_169 = tpu.memref_slice %arg5[%mul3A_162] : memref<1600xi32, #tpu.memory_space<vmem>> -> memref<80xi32, #tpu.memory_space<vmem>>
      %dma_wait3A_170 = arith.constant 0 : i32
      %dma_wait3A_171 = arith.constant 0 : i32
      %dma_wait3A_172 = tpu.memref_slice %arg2[%dma_wait3A_170, %dma_wait3A_171] : memref<50000x256xf32, #tpu.memory_space<hbm>> -> memref<50000x256xf32, #tpu.memory_space<hbm>>
      %dma_wait3A_173 = tpu.memref_slice %arg7[%dma_wait3A_164] : memref<5x!tpu.dma_semaphore, #tpu.memory_space<semaphore_mem>> -> memref<1x!tpu.dma_semaphore, #tpu.memory_space<semaphore_mem>>
      %dma_wait3A_174 = tpu.memref_squeeze %dma_wait3A_173 : memref<1x!tpu.dma_semaphore, #tpu.memory_space<semaphore_mem>> -> memref<!tpu.dma_semaphore, #tpu.memory_space<semaphore_mem>>
      tpu.wait_indirect_dma semaphore(%dma_wait3A_174 : memref<!tpu.dma_semaphore, #tpu.memory_space<semaphore_mem>>) src(%dma_wait3A_172 : memref<50000x256xf32, #tpu.memory_space<hbm>>) dst(%dma_wait3A_168 : memref<80x256xf32, #tpu.memory_space<vmem>>)
      %lt3A_175 = arith.cmpi slt, %add3A_160, %select_n3A : i32
      %convert_element_type3A_176 = arith.extui %lt3A_175 : i1 to i32
      %cond3A_177 = arith.constant 0 : i32
      %cond3A_178 = arith.cmpi ne, %convert_element_type3A_176, %cond3A_177 : i32
      scf.if %cond3A_178 {
        %add3A_276 = arith.addi %select_n3A_12, %add3A_160 : i32
        %mul3A_277 = arith.constant 80 : i32
        %mul3A_278 = arith.muli %add3A_276, %mul3A_277 : i32
        %dma_start3A_279 = arith.constant 3 : i32
        %dma_start3A_280 = arith.constant 3 : i32
        %dma_start3A_281 = arith.constant 0 : i32
        %dma_start3A_282 = arith.constant 0 : i32
        %dma_start3A_283 = tpu.memref_slice %arg6[%dma_start3A_279, %dma_start3A_281, %dma_start3A_282] : memref<5x80x256xf32, #tpu.memory_space<vmem>> -> memref<1x80x256xf32, #tpu.memory_space<vmem>>
        %dma_start3A_284 = tpu.memref_squeeze %dma_start3A_283 : memref<1x80x256xf32, #tpu.memory_space<vmem>> -> memref<80x256xf32, #tpu.memory_space<vmem>>
        %dma_start3A_285 = arith.constant 0 : i32
        %dma_start3A_286 = tpu.memref_slice %arg4[%mul3A_278, %dma_start3A_285] : memref<50000x256xf32, #tpu.memory_space<hbm>> -> memref<80x256xf32, #tpu.memory_space<hbm>>
        %dma_start3A_287 = tpu.memref_slice %arg8[%dma_start3A_280] : memref<5x!tpu.dma_semaphore, #tpu.memory_space<semaphore_mem>> -> memref<1x!tpu.dma_semaphore, #tpu.memory_space<semaphore_mem>>
        %dma_start3A_288 = tpu.memref_squeeze %dma_start3A_287 : memref<1x!tpu.dma_semaphore, #tpu.memory_space<semaphore_mem>> -> memref<!tpu.dma_semaphore, #tpu.memory_space<semaphore_mem>>
        %dma_start3A_289 = arith.constant 0 : i32
        %dma_start3A_290 = tpu.memref_slice %arg4[%mul3A_278, %dma_start3A_289] : memref<50000x256xf32, #tpu.memory_space<hbm>> -> memref<80x256xf32, #tpu.memory_space<hbm>>
        %dma_start3A_291 = arith.constant 0 : i32
        %dma_start3A_292 = arith.constant 0 : i32
        %dma_start3A_293 = tpu.memref_slice %arg6[%dma_start3A_279, %dma_start3A_291, %dma_start3A_292] : memref<5x80x256xf32, #tpu.memory_space<vmem>> -> memref<1x80x256xf32, #tpu.memory_space<vmem>>
        %dma_start3A_294 = tpu.memref_squeeze %dma_start3A_293 : memref<1x80x256xf32, #tpu.memory_space<vmem>> -> memref<80x256xf32, #tpu.memory_space<vmem>>
        tpu.enqueue_dma source(%dma_start3A_294 : memref<80x256xf32, #tpu.memory_space<vmem>>) target(%dma_start3A_290 : memref<80x256xf32, #tpu.memory_space<hbm>>) target_semaphore(%dma_start3A_288 : memref<!tpu.dma_semaphore, #tpu.memory_space<semaphore_mem>>)
      } else {
      }
      %mul3A_179 = arith.constant 5 : i32
      %mul3A_180 = arith.muli %mul3A_179, %scan3A_93 : i32
      %add3A_181 = arith.constant 4 : i32
      %add3A_182 = arith.addi %mul3A_180, %add3A_181 : i32
      %mul3A_183 = arith.constant 80 : i32
      %mul3A_184 = arith.muli %add3A_182, %mul3A_183 : i32
      %dma_wait3A_185 = arith.constant 4 : i32
      %dma_wait3A_186 = arith.constant 4 : i32
      %dma_wait3A_187 = arith.constant 0 : i32
      %dma_wait3A_188 = arith.constant 0 : i32
      %dma_wait3A_189 = tpu.memref_slice %arg6[%dma_wait3A_185, %dma_wait3A_187, %dma_wait3A_188] : memref<5x80x256xf32, #tpu.memory_space<vmem>> -> memref<1x80x256xf32, #tpu.memory_space<vmem>>
      %dma_wait3A_190 = tpu.memref_squeeze %dma_wait3A_189 : memref<1x80x256xf32, #tpu.memory_space<vmem>> -> memref<80x256xf32, #tpu.memory_space<vmem>>
      %dma_wait3A_191 = tpu.memref_slice %arg5[%mul3A_184] : memref<1600xi32, #tpu.memory_space<vmem>> -> memref<80xi32, #tpu.memory_space<vmem>>
      %dma_wait3A_192 = arith.constant 0 : i32
      %dma_wait3A_193 = arith.constant 0 : i32
      %dma_wait3A_194 = tpu.memref_slice %arg2[%dma_wait3A_192, %dma_wait3A_193] : memref<50000x256xf32, #tpu.memory_space<hbm>> -> memref<50000x256xf32, #tpu.memory_space<hbm>>
      %dma_wait3A_195 = tpu.memref_slice %arg7[%dma_wait3A_186] : memref<5x!tpu.dma_semaphore, #tpu.memory_space<semaphore_mem>> -> memref<1x!tpu.dma_semaphore, #tpu.memory_space<semaphore_mem>>
      %dma_wait3A_196 = tpu.memref_squeeze %dma_wait3A_195 : memref<1x!tpu.dma_semaphore, #tpu.memory_space<semaphore_mem>> -> memref<!tpu.dma_semaphore, #tpu.memory_space<semaphore_mem>>
      tpu.wait_indirect_dma semaphore(%dma_wait3A_196 : memref<!tpu.dma_semaphore, #tpu.memory_space<semaphore_mem>>) src(%dma_wait3A_194 : memref<50000x256xf32, #tpu.memory_space<hbm>>) dst(%dma_wait3A_190 : memref<80x256xf32, #tpu.memory_space<vmem>>)
      %lt3A_197 = arith.cmpi slt, %add3A_182, %select_n3A : i32
      %convert_element_type3A_198 = arith.extui %lt3A_197 : i1 to i32
      %cond3A_199 = arith.constant 0 : i32
      %cond3A_200 = arith.cmpi ne, %convert_element_type3A_198, %cond3A_199 : i32
      scf.if %cond3A_200 {
        %add3A_276 = arith.addi %select_n3A_12, %add3A_182 : i32
        %mul3A_277 = arith.constant 80 : i32
        %mul3A_278 = arith.muli %add3A_276, %mul3A_277 : i32
        %dma_start3A_279 = arith.constant 4 : i32
        %dma_start3A_280 = arith.constant 4 : i32
        %dma_start3A_281 = arith.constant 0 : i32
        %dma_start3A_282 = arith.constant 0 : i32
        %dma_start3A_283 = tpu.memref_slice %arg6[%dma_start3A_279, %dma_start3A_281, %dma_start3A_282] : memref<5x80x256xf32, #tpu.memory_space<vmem>> -> memref<1x80x256xf32, #tpu.memory_space<vmem>>
        %dma_start3A_284 = tpu.memref_squeeze %dma_start3A_283 : memref<1x80x256xf32, #tpu.memory_space<vmem>> -> memref<80x256xf32, #tpu.memory_space<vmem>>
        %dma_start3A_285 = arith.constant 0 : i32
        %dma_start3A_286 = tpu.memref_slice %arg4[%mul3A_278, %dma_start3A_285] : memref<50000x256xf32, #tpu.memory_space<hbm>> -> memref<80x256xf32, #tpu.memory_space<hbm>>
        %dma_start3A_287 = tpu.memref_slice %arg8[%dma_start3A_280] : memref<5x!tpu.dma_semaphore, #tpu.memory_space<semaphore_mem>> -> memref<1x!tpu.dma_semaphore, #tpu.memory_space<semaphore_mem>>
        %dma_start3A_288 = tpu.memref_squeeze %dma_start3A_287 : memref<1x!tpu.dma_semaphore, #tpu.memory_space<semaphore_mem>> -> memref<!tpu.dma_semaphore, #tpu.memory_space<semaphore_mem>>
        %dma_start3A_289 = arith.constant 0 : i32
        %dma_start3A_290 = tpu.memref_slice %arg4[%mul3A_278, %dma_start3A_289] : memref<50000x256xf32, #tpu.memory_space<hbm>> -> memref<80x256xf32, #tpu.memory_space<hbm>>
        %dma_start3A_291 = arith.constant 0 : i32
        %dma_start3A_292 = arith.constant 0 : i32
        %dma_start3A_293 = tpu.memref_slice %arg6[%dma_start3A_279, %dma_start3A_291, %dma_start3A_292] : memref<5x80x256xf32, #tpu.memory_space<vmem>> -> memref<1x80x256xf32, #tpu.memory_space<vmem>>
        %dma_start3A_294 = tpu.memref_squeeze %dma_start3A_293 : memref<1x80x256xf32, #tpu.memory_space<vmem>> -> memref<80x256xf32, #tpu.memory_space<vmem>>
        tpu.enqueue_dma source(%dma_start3A_294 : memref<80x256xf32, #tpu.memory_space<vmem>>) target(%dma_start3A_290 : memref<80x256xf32, #tpu.memory_space<hbm>>) target_semaphore(%dma_start3A_288 : memref<!tpu.dma_semaphore, #tpu.memory_space<semaphore_mem>>)
      } else {
      }
      %mul3A_201 = arith.constant 5 : i32
      %mul3A_202 = arith.muli %mul3A_201, %scan3A_93 : i32
      %add3A_203 = arith.constant 0 : i32
      %add3A_204 = arith.addi %mul3A_202, %add3A_203 : i32
      %lt3A_205 = arith.cmpi slt, %add3A_204, %select_n3A : i32
      %convert_element_type3A_206 = arith.extui %lt3A_205 : i1 to i32
      %cond3A_207 = arith.constant 0 : i32
      %cond3A_208 = arith.cmpi ne, %convert_element_type3A_206, %cond3A_207 : i32
      scf.if %cond3A_208 {
        %add3A_276 = arith.addi %select_n3A_12, %add3A_204 : i32
        %mul3A_277 = arith.constant 80 : i32
        %mul3A_278 = arith.muli %add3A_276, %mul3A_277 : i32
        %dma_wait3A_279 = arith.constant 0 : i32
        %dma_wait3A_280 = arith.constant 0 : i32
        %dma_wait3A_281 = arith.constant 0 : i32
        %dma_wait3A_282 = arith.constant 0 : i32
        %dma_wait3A_283 = tpu.memref_slice %arg6[%dma_wait3A_279, %dma_wait3A_281, %dma_wait3A_282] : memref<5x80x256xf32, #tpu.memory_space<vmem>> -> memref<1x80x256xf32, #tpu.memory_space<vmem>>
        %dma_wait3A_284 = tpu.memref_squeeze %dma_wait3A_283 : memref<1x80x256xf32, #tpu.memory_space<vmem>> -> memref<80x256xf32, #tpu.memory_space<vmem>>
        %dma_wait3A_285 = arith.constant 0 : i32
        %dma_wait3A_286 = tpu.memref_slice %arg4[%mul3A_278, %dma_wait3A_285] : memref<50000x256xf32, #tpu.memory_space<hbm>> -> memref<80x256xf32, #tpu.memory_space<hbm>>
        %dma_wait3A_287 = tpu.memref_slice %arg8[%dma_wait3A_280] : memref<5x!tpu.dma_semaphore, #tpu.memory_space<semaphore_mem>> -> memref<1x!tpu.dma_semaphore, #tpu.memory_space<semaphore_mem>>
        %dma_wait3A_288 = tpu.memref_squeeze %dma_wait3A_287 : memref<1x!tpu.dma_semaphore, #tpu.memory_space<semaphore_mem>> -> memref<!tpu.dma_semaphore, #tpu.memory_space<semaphore_mem>>
        %dma_wait3A_289 = arith.constant 0 : i32
        %dma_wait3A_290 = tpu.memref_slice %arg4[%mul3A_278, %dma_wait3A_289] : memref<50000x256xf32, #tpu.memory_space<hbm>> -> memref<80x256xf32, #tpu.memory_space<hbm>>
        %dma_wait3A_291 = arith.constant 0 : i32
        %dma_wait3A_292 = arith.constant 0 : i32
        %dma_wait3A_293 = tpu.memref_slice %arg6[%dma_wait3A_279, %dma_wait3A_291, %dma_wait3A_292] : memref<5x80x256xf32, #tpu.memory_space<vmem>> -> memref<1x80x256xf32, #tpu.memory_space<vmem>>
        %dma_wait3A_294 = tpu.memref_squeeze %dma_wait3A_293 : memref<1x80x256xf32, #tpu.memory_space<vmem>> -> memref<80x256xf32, #tpu.memory_space<vmem>>
        tpu.wait_dma2 semaphore(%dma_wait3A_288 : memref<!tpu.dma_semaphore, #tpu.memory_space<semaphore_mem>>) src(%dma_wait3A_294 : memref<80x256xf32, #tpu.memory_space<vmem>>) dst(%dma_wait3A_290 : memref<80x256xf32, #tpu.memory_space<hbm>>)
      } else {
      }
      %add3A_209 = arith.constant 5 : i32
      %add3A_210 = arith.addi %add3A_204, %add3A_209 : i32
      %lt3A_211 = arith.constant 20 : i32
      %lt3A_212 = arith.cmpi slt, %add3A_210, %lt3A_211 : i32
      %convert_element_type3A_213 = arith.extui %lt3A_212 : i1 to i32
      %cond3A_214 = arith.constant 0 : i32
      %cond3A_215 = arith.cmpi ne, %convert_element_type3A_213, %cond3A_214 : i32
      scf.if %cond3A_215 {
        %add3A_276 = arith.constant 5 : i32
        %add3A_277 = arith.addi %add3A_204, %add3A_276 : i32
        %mul3A_278 = arith.constant 80 : i32
        %mul3A_279 = arith.muli %add3A_277, %mul3A_278 : i32
        %dma_start3A_280 = arith.constant 0 : i32
        %dma_start3A_281 = arith.constant 0 : i32
        %dma_start3A_282 = arith.constant 0 : i32
        %dma_start3A_283 = arith.constant 0 : i32
        %dma_start3A_284 = tpu.memref_slice %arg6[%dma_start3A_280, %dma_start3A_282, %dma_start3A_283] : memref<5x80x256xf32, #tpu.memory_space<vmem>> -> memref<1x80x256xf32, #tpu.memory_space<vmem>>
        %dma_start3A_285 = tpu.memref_squeeze %dma_start3A_284 : memref<1x80x256xf32, #tpu.memory_space<vmem>> -> memref<80x256xf32, #tpu.memory_space<vmem>>
        %dma_start3A_286 = tpu.memref_slice %arg5[%mul3A_279] : memref<1600xi32, #tpu.memory_space<vmem>> -> memref<80xi32, #tpu.memory_space<vmem>>
        %dma_start3A_287 = arith.constant 0 : i32
        %dma_start3A_288 = arith.constant 0 : i32
        %dma_start3A_289 = tpu.memref_slice %arg2[%dma_start3A_287, %dma_start3A_288] : memref<50000x256xf32, #tpu.memory_space<hbm>> -> memref<50000x256xf32, #tpu.memory_space<hbm>>
        %dma_start3A_290 = tpu.memref_slice %arg7[%dma_start3A_281] : memref<5x!tpu.dma_semaphore, #tpu.memory_space<semaphore_mem>> -> memref<1x!tpu.dma_semaphore, #tpu.memory_space<semaphore_mem>>
        %dma_start3A_291 = tpu.memref_squeeze %dma_start3A_290 : memref<1x!tpu.dma_semaphore, #tpu.memory_space<semaphore_mem>> -> memref<!tpu.dma_semaphore, #tpu.memory_space<semaphore_mem>>
        tpu.enqueue_indirect_dma source(%dma_start3A_289 : memref<50000x256xf32, #tpu.memory_space<hbm>>) target(%dma_start3A_285 : memref<80x256xf32, #tpu.memory_space<vmem>>) offsets(%dma_start3A_286 : memref<80xi32, #tpu.memory_space<vmem>>) semaphore(%dma_start3A_291 : memref<!tpu.dma_semaphore, #tpu.memory_space<semaphore_mem>>)
      } else {
      }
      %mul3A_216 = arith.constant 5 : i32
      %mul3A_217 = arith.muli %mul3A_216, %scan3A_93 : i32
      %add3A_218 = arith.constant 1 : i32
      %add3A_219 = arith.addi %mul3A_217, %add3A_218 : i32
      %lt3A_220 = arith.cmpi slt, %add3A_219, %select_n3A : i32
      %convert_element_type3A_221 = arith.extui %lt3A_220 : i1 to i32
      %cond3A_222 = arith.constant 0 : i32
      %cond3A_223 = arith.cmpi ne, %convert_element_type3A_221, %cond3A_222 : i32
      scf.if %cond3A_223 {
        %add3A_276 = arith.addi %select_n3A_12, %add3A_219 : i32
        %mul3A_277 = arith.constant 80 : i32
        %mul3A_278 = arith.muli %add3A_276, %mul3A_277 : i32
        %dma_wait3A_279 = arith.constant 1 : i32
        %dma_wait3A_280 = arith.constant 1 : i32
        %dma_wait3A_281 = arith.constant 0 : i32
        %dma_wait3A_282 = arith.constant 0 : i32
        %dma_wait3A_283 = tpu.memref_slice %arg6[%dma_wait3A_279, %dma_wait3A_281, %dma_wait3A_282] : memref<5x80x256xf32, #tpu.memory_space<vmem>> -> memref<1x80x256xf32, #tpu.memory_space<vmem>>
        %dma_wait3A_284 = tpu.memref_squeeze %dma_wait3A_283 : memref<1x80x256xf32, #tpu.memory_space<vmem>> -> memref<80x256xf32, #tpu.memory_space<vmem>>
        %dma_wait3A_285 = arith.constant 0 : i32
        %dma_wait3A_286 = tpu.memref_slice %arg4[%mul3A_278, %dma_wait3A_285] : memref<50000x256xf32, #tpu.memory_space<hbm>> -> memref<80x256xf32, #tpu.memory_space<hbm>>
        %dma_wait3A_287 = tpu.memref_slice %arg8[%dma_wait3A_280] : memref<5x!tpu.dma_semaphore, #tpu.memory_space<semaphore_mem>> -> memref<1x!tpu.dma_semaphore, #tpu.memory_space<semaphore_mem>>
        %dma_wait3A_288 = tpu.memref_squeeze %dma_wait3A_287 : memref<1x!tpu.dma_semaphore, #tpu.memory_space<semaphore_mem>> -> memref<!tpu.dma_semaphore, #tpu.memory_space<semaphore_mem>>
        %dma_wait3A_289 = arith.constant 0 : i32
        %dma_wait3A_290 = tpu.memref_slice %arg4[%mul3A_278, %dma_wait3A_289] : memref<50000x256xf32, #tpu.memory_space<hbm>> -> memref<80x256xf32, #tpu.memory_space<hbm>>
        %dma_wait3A_291 = arith.constant 0 : i32
        %dma_wait3A_292 = arith.constant 0 : i32
        %dma_wait3A_293 = tpu.memref_slice %arg6[%dma_wait3A_279, %dma_wait3A_291, %dma_wait3A_292] : memref<5x80x256xf32, #tpu.memory_space<vmem>> -> memref<1x80x256xf32, #tpu.memory_space<vmem>>
        %dma_wait3A_294 = tpu.memref_squeeze %dma_wait3A_293 : memref<1x80x256xf32, #tpu.memory_space<vmem>> -> memref<80x256xf32, #tpu.memory_space<vmem>>
        tpu.wait_dma2 semaphore(%dma_wait3A_288 : memref<!tpu.dma_semaphore, #tpu.memory_space<semaphore_mem>>) src(%dma_wait3A_294 : memref<80x256xf32, #tpu.memory_space<vmem>>) dst(%dma_wait3A_290 : memref<80x256xf32, #tpu.memory_space<hbm>>)
      } else {
      }
      %add3A_224 = arith.constant 5 : i32
      %add3A_225 = arith.addi %add3A_219, %add3A_224 : i32
      %lt3A_226 = arith.constant 20 : i32
      %lt3A_227 = arith.cmpi slt, %add3A_225, %lt3A_226 : i32
      %convert_element_type3A_228 = arith.extui %lt3A_227 : i1 to i32
      %cond3A_229 = arith.constant 0 : i32
      %cond3A_230 = arith.cmpi ne, %convert_element_type3A_228, %cond3A_229 : i32
      scf.if %cond3A_230 {
        %add3A_276 = arith.constant 5 : i32
        %add3A_277 = arith.addi %add3A_219, %add3A_276 : i32
        %mul3A_278 = arith.constant 80 : i32
        %mul3A_279 = arith.muli %add3A_277, %mul3A_278 : i32
        %dma_start3A_280 = arith.constant 1 : i32
        %dma_start3A_281 = arith.constant 1 : i32
        %dma_start3A_282 = arith.constant 0 : i32
        %dma_start3A_283 = arith.constant 0 : i32
        %dma_start3A_284 = tpu.memref_slice %arg6[%dma_start3A_280, %dma_start3A_282, %dma_start3A_283] : memref<5x80x256xf32, #tpu.memory_space<vmem>> -> memref<1x80x256xf32, #tpu.memory_space<vmem>>
        %dma_start3A_285 = tpu.memref_squeeze %dma_start3A_284 : memref<1x80x256xf32, #tpu.memory_space<vmem>> -> memref<80x256xf32, #tpu.memory_space<vmem>>
        %dma_start3A_286 = tpu.memref_slice %arg5[%mul3A_279] : memref<1600xi32, #tpu.memory_space<vmem>> -> memref<80xi32, #tpu.memory_space<vmem>>
        %dma_start3A_287 = arith.constant 0 : i32
        %dma_start3A_288 = arith.constant 0 : i32
        %dma_start3A_289 = tpu.memref_slice %arg2[%dma_start3A_287, %dma_start3A_288] : memref<50000x256xf32, #tpu.memory_space<hbm>> -> memref<50000x256xf32, #tpu.memory_space<hbm>>
        %dma_start3A_290 = tpu.memref_slice %arg7[%dma_start3A_281] : memref<5x!tpu.dma_semaphore, #tpu.memory_space<semaphore_mem>> -> memref<1x!tpu.dma_semaphore, #tpu.memory_space<semaphore_mem>>
        %dma_start3A_291 = tpu.memref_squeeze %dma_start3A_290 : memref<1x!tpu.dma_semaphore, #tpu.memory_space<semaphore_mem>> -> memref<!tpu.dma_semaphore, #tpu.memory_space<semaphore_mem>>
        tpu.enqueue_indirect_dma source(%dma_start3A_289 : memref<50000x256xf32, #tpu.memory_space<hbm>>) target(%dma_start3A_285 : memref<80x256xf32, #tpu.memory_space<vmem>>) offsets(%dma_start3A_286 : memref<80xi32, #tpu.memory_space<vmem>>) semaphore(%dma_start3A_291 : memref<!tpu.dma_semaphore, #tpu.memory_space<semaphore_mem>>)
      } else {
      }
      %mul3A_231 = arith.constant 5 : i32
      %mul3A_232 = arith.muli %mul3A_231, %scan3A_93 : i32
      %add3A_233 = arith.constant 2 : i32
      %add3A_234 = arith.addi %mul3A_232, %add3A_233 : i32
      %lt3A_235 = arith.cmpi slt, %add3A_234, %select_n3A : i32
      %convert_element_type3A_236 = arith.extui %lt3A_235 : i1 to i32
      %cond3A_237 = arith.constant 0 : i32
      %cond3A_238 = arith.cmpi ne, %convert_element_type3A_236, %cond3A_237 : i32
      scf.if %cond3A_238 {
        %add3A_276 = arith.addi %select_n3A_12, %add3A_234 : i32
        %mul3A_277 = arith.constant 80 : i32
        %mul3A_278 = arith.muli %add3A_276, %mul3A_277 : i32
        %dma_wait3A_279 = arith.constant 2 : i32
        %dma_wait3A_280 = arith.constant 2 : i32
        %dma_wait3A_281 = arith.constant 0 : i32
        %dma_wait3A_282 = arith.constant 0 : i32
        %dma_wait3A_283 = tpu.memref_slice %arg6[%dma_wait3A_279, %dma_wait3A_281, %dma_wait3A_282] : memref<5x80x256xf32, #tpu.memory_space<vmem>> -> memref<1x80x256xf32, #tpu.memory_space<vmem>>
        %dma_wait3A_284 = tpu.memref_squeeze %dma_wait3A_283 : memref<1x80x256xf32, #tpu.memory_space<vmem>> -> memref<80x256xf32, #tpu.memory_space<vmem>>
        %dma_wait3A_285 = arith.constant 0 : i32
        %dma_wait3A_286 = tpu.memref_slice %arg4[%mul3A_278, %dma_wait3A_285] : memref<50000x256xf32, #tpu.memory_space<hbm>> -> memref<80x256xf32, #tpu.memory_space<hbm>>
        %dma_wait3A_287 = tpu.memref_slice %arg8[%dma_wait3A_280] : memref<5x!tpu.dma_semaphore, #tpu.memory_space<semaphore_mem>> -> memref<1x!tpu.dma_semaphore, #tpu.memory_space<semaphore_mem>>
        %dma_wait3A_288 = tpu.memref_squeeze %dma_wait3A_287 : memref<1x!tpu.dma_semaphore, #tpu.memory_space<semaphore_mem>> -> memref<!tpu.dma_semaphore, #tpu.memory_space<semaphore_mem>>
        %dma_wait3A_289 = arith.constant 0 : i32
        %dma_wait3A_290 = tpu.memref_slice %arg4[%mul3A_278, %dma_wait3A_289] : memref<50000x256xf32, #tpu.memory_space<hbm>> -> memref<80x256xf32, #tpu.memory_space<hbm>>
        %dma_wait3A_291 = arith.constant 0 : i32
        %dma_wait3A_292 = arith.constant 0 : i32
        %dma_wait3A_293 = tpu.memref_slice %arg6[%dma_wait3A_279, %dma_wait3A_291, %dma_wait3A_292] : memref<5x80x256xf32, #tpu.memory_space<vmem>> -> memref<1x80x256xf32, #tpu.memory_space<vmem>>
        %dma_wait3A_294 = tpu.memref_squeeze %dma_wait3A_293 : memref<1x80x256xf32, #tpu.memory_space<vmem>> -> memref<80x256xf32, #tpu.memory_space<vmem>>
        tpu.wait_dma2 semaphore(%dma_wait3A_288 : memref<!tpu.dma_semaphore, #tpu.memory_space<semaphore_mem>>) src(%dma_wait3A_294 : memref<80x256xf32, #tpu.memory_space<vmem>>) dst(%dma_wait3A_290 : memref<80x256xf32, #tpu.memory_space<hbm>>)
      } else {
      }
      %add3A_239 = arith.constant 5 : i32
      %add3A_240 = arith.addi %add3A_234, %add3A_239 : i32
      %lt3A_241 = arith.constant 20 : i32
      %lt3A_242 = arith.cmpi slt, %add3A_240, %lt3A_241 : i32
      %convert_element_type3A_243 = arith.extui %lt3A_242 : i1 to i32
      %cond3A_244 = arith.constant 0 : i32
      %cond3A_245 = arith.cmpi ne, %convert_element_type3A_243, %cond3A_244 : i32
      scf.if %cond3A_245 {
        %add3A_276 = arith.constant 5 : i32
        %add3A_277 = arith.addi %add3A_234, %add3A_276 : i32
        %mul3A_278 = arith.constant 80 : i32
        %mul3A_279 = arith.muli %add3A_277, %mul3A_278 : i32
        %dma_start3A_280 = arith.constant 2 : i32
        %dma_start3A_281 = arith.constant 2 : i32
        %dma_start3A_282 = arith.constant 0 : i32
        %dma_start3A_283 = arith.constant 0 : i32
        %dma_start3A_284 = tpu.memref_slice %arg6[%dma_start3A_280, %dma_start3A_282, %dma_start3A_283] : memref<5x80x256xf32, #tpu.memory_space<vmem>> -> memref<1x80x256xf32, #tpu.memory_space<vmem>>
        %dma_start3A_285 = tpu.memref_squeeze %dma_start3A_284 : memref<1x80x256xf32, #tpu.memory_space<vmem>> -> memref<80x256xf32, #tpu.memory_space<vmem>>
        %dma_start3A_286 = tpu.memref_slice %arg5[%mul3A_279] : memref<1600xi32, #tpu.memory_space<vmem>> -> memref<80xi32, #tpu.memory_space<vmem>>
        %dma_start3A_287 = arith.constant 0 : i32
        %dma_start3A_288 = arith.constant 0 : i32
        %dma_start3A_289 = tpu.memref_slice %arg2[%dma_start3A_287, %dma_start3A_288] : memref<50000x256xf32, #tpu.memory_space<hbm>> -> memref<50000x256xf32, #tpu.memory_space<hbm>>
        %dma_start3A_290 = tpu.memref_slice %arg7[%dma_start3A_281] : memref<5x!tpu.dma_semaphore, #tpu.memory_space<semaphore_mem>> -> memref<1x!tpu.dma_semaphore, #tpu.memory_space<semaphore_mem>>
        %dma_start3A_291 = tpu.memref_squeeze %dma_start3A_290 : memref<1x!tpu.dma_semaphore, #tpu.memory_space<semaphore_mem>> -> memref<!tpu.dma_semaphore, #tpu.memory_space<semaphore_mem>>
        tpu.enqueue_indirect_dma source(%dma_start3A_289 : memref<50000x256xf32, #tpu.memory_space<hbm>>) target(%dma_start3A_285 : memref<80x256xf32, #tpu.memory_space<vmem>>) offsets(%dma_start3A_286 : memref<80xi32, #tpu.memory_space<vmem>>) semaphore(%dma_start3A_291 : memref<!tpu.dma_semaphore, #tpu.memory_space<semaphore_mem>>)
      } else {
      }
      %mul3A_246 = arith.constant 5 : i32
      %mul3A_247 = arith.muli %mul3A_246, %scan3A_93 : i32
      %add3A_248 = arith.constant 3 : i32
      %add3A_249 = arith.addi %mul3A_247, %add3A_248 : i32
      %lt3A_250 = arith.cmpi slt, %add3A_249, %select_n3A : i32
      %convert_element_type3A_251 = arith.extui %lt3A_250 : i1 to i32
      %cond3A_252 = arith.constant 0 : i32
      %cond3A_253 = arith.cmpi ne, %convert_element_type3A_251, %cond3A_252 : i32
      scf.if %cond3A_253 {
        %add3A_276 = arith.addi %select_n3A_12, %add3A_249 : i32
        %mul3A_277 = arith.constant 80 : i32
        %mul3A_278 = arith.muli %add3A_276, %mul3A_277 : i32
        %dma_wait3A_279 = arith.constant 3 : i32
        %dma_wait3A_280 = arith.constant 3 : i32
        %dma_wait3A_281 = arith.constant 0 : i32
        %dma_wait3A_282 = arith.constant 0 : i32
        %dma_wait3A_283 = tpu.memref_slice %arg6[%dma_wait3A_279, %dma_wait3A_281, %dma_wait3A_282] : memref<5x80x256xf32, #tpu.memory_space<vmem>> -> memref<1x80x256xf32, #tpu.memory_space<vmem>>
        %dma_wait3A_284 = tpu.memref_squeeze %dma_wait3A_283 : memref<1x80x256xf32, #tpu.memory_space<vmem>> -> memref<80x256xf32, #tpu.memory_space<vmem>>
        %dma_wait3A_285 = arith.constant 0 : i32
        %dma_wait3A_286 = tpu.memref_slice %arg4[%mul3A_278, %dma_wait3A_285] : memref<50000x256xf32, #tpu.memory_space<hbm>> -> memref<80x256xf32, #tpu.memory_space<hbm>>
        %dma_wait3A_287 = tpu.memref_slice %arg8[%dma_wait3A_280] : memref<5x!tpu.dma_semaphore, #tpu.memory_space<semaphore_mem>> -> memref<1x!tpu.dma_semaphore, #tpu.memory_space<semaphore_mem>>
        %dma_wait3A_288 = tpu.memref_squeeze %dma_wait3A_287 : memref<1x!tpu.dma_semaphore, #tpu.memory_space<semaphore_mem>> -> memref<!tpu.dma_semaphore, #tpu.memory_space<semaphore_mem>>
        %dma_wait3A_289 = arith.constant 0 : i32
        %dma_wait3A_290 = tpu.memref_slice %arg4[%mul3A_278, %dma_wait3A_289] : memref<50000x256xf32, #tpu.memory_space<hbm>> -> memref<80x256xf32, #tpu.memory_space<hbm>>
        %dma_wait3A_291 = arith.constant 0 : i32
        %dma_wait3A_292 = arith.constant 0 : i32
        %dma_wait3A_293 = tpu.memref_slice %arg6[%dma_wait3A_279, %dma_wait3A_291, %dma_wait3A_292] : memref<5x80x256xf32, #tpu.memory_space<vmem>> -> memref<1x80x256xf32, #tpu.memory_space<vmem>>
        %dma_wait3A_294 = tpu.memref_squeeze %dma_wait3A_293 : memref<1x80x256xf32, #tpu.memory_space<vmem>> -> memref<80x256xf32, #tpu.memory_space<vmem>>
        tpu.wait_dma2 semaphore(%dma_wait3A_288 : memref<!tpu.dma_semaphore, #tpu.memory_space<semaphore_mem>>) src(%dma_wait3A_294 : memref<80x256xf32, #tpu.memory_space<vmem>>) dst(%dma_wait3A_290 : memref<80x256xf32, #tpu.memory_space<hbm>>)
      } else {
      }
      %add3A_254 = arith.constant 5 : i32
      %add3A_255 = arith.addi %add3A_249, %add3A_254 : i32
      %lt3A_256 = arith.constant 20 : i32
      %lt3A_257 = arith.cmpi slt, %add3A_255, %lt3A_256 : i32
      %convert_element_type3A_258 = arith.extui %lt3A_257 : i1 to i32
      %cond3A_259 = arith.constant 0 : i32
      %cond3A_260 = arith.cmpi ne, %convert_element_type3A_258, %cond3A_259 : i32
      scf.if %cond3A_260 {
        %add3A_276 = arith.constant 5 : i32
        %add3A_277 = arith.addi %add3A_249, %add3A_276 : i32
        %mul3A_278 = arith.constant 80 : i32
        %mul3A_279 = arith.muli %add3A_277, %mul3A_278 : i32
        %dma_start3A_280 = arith.constant 3 : i32
        %dma_start3A_281 = arith.constant 3 : i32
        %dma_start3A_282 = arith.constant 0 : i32
        %dma_start3A_283 = arith.constant 0 : i32
        %dma_start3A_284 = tpu.memref_slice %arg6[%dma_start3A_280, %dma_start3A_282, %dma_start3A_283] : memref<5x80x256xf32, #tpu.memory_space<vmem>> -> memref<1x80x256xf32, #tpu.memory_space<vmem>>
        %dma_start3A_285 = tpu.memref_squeeze %dma_start3A_284 : memref<1x80x256xf32, #tpu.memory_space<vmem>> -> memref<80x256xf32, #tpu.memory_space<vmem>>
        %dma_start3A_286 = tpu.memref_slice %arg5[%mul3A_279] : memref<1600xi32, #tpu.memory_space<vmem>> -> memref<80xi32, #tpu.memory_space<vmem>>
        %dma_start3A_287 = arith.constant 0 : i32
        %dma_start3A_288 = arith.constant 0 : i32
        %dma_start3A_289 = tpu.memref_slice %arg2[%dma_start3A_287, %dma_start3A_288] : memref<50000x256xf32, #tpu.memory_space<hbm>> -> memref<50000x256xf32, #tpu.memory_space<hbm>>
        %dma_start3A_290 = tpu.memref_slice %arg7[%dma_start3A_281] : memref<5x!tpu.dma_semaphore, #tpu.memory_space<semaphore_mem>> -> memref<1x!tpu.dma_semaphore, #tpu.memory_space<semaphore_mem>>
        %dma_start3A_291 = tpu.memref_squeeze %dma_start3A_290 : memref<1x!tpu.dma_semaphore, #tpu.memory_space<semaphore_mem>> -> memref<!tpu.dma_semaphore, #tpu.memory_space<semaphore_mem>>
        tpu.enqueue_indirect_dma source(%dma_start3A_289 : memref<50000x256xf32, #tpu.memory_space<hbm>>) target(%dma_start3A_285 : memref<80x256xf32, #tpu.memory_space<vmem>>) offsets(%dma_start3A_286 : memref<80xi32, #tpu.memory_space<vmem>>) semaphore(%dma_start3A_291 : memref<!tpu.dma_semaphore, #tpu.memory_space<semaphore_mem>>)
      } else {
      }
      %mul3A_261 = arith.constant 5 : i32
      %mul3A_262 = arith.muli %mul3A_261, %scan3A_93 : i32
      %add3A_263 = arith.constant 4 : i32
      %add3A_264 = arith.addi %mul3A_262, %add3A_263 : i32
      %lt3A_265 = arith.cmpi slt, %add3A_264, %select_n3A : i32
      %convert_element_type3A_266 = arith.extui %lt3A_265 : i1 to i32
      %cond3A_267 = arith.constant 0 : i32
      %cond3A_268 = arith.cmpi ne, %convert_element_type3A_266, %cond3A_267 : i32
      scf.if %cond3A_268 {
        %add3A_276 = arith.addi %select_n3A_12, %add3A_264 : i32
        %mul3A_277 = arith.constant 80 : i32
        %mul3A_278 = arith.muli %add3A_276, %mul3A_277 : i32
        %dma_wait3A_279 = arith.constant 4 : i32
        %dma_wait3A_280 = arith.constant 4 : i32
        %dma_wait3A_281 = arith.constant 0 : i32
        %dma_wait3A_282 = arith.constant 0 : i32
        %dma_wait3A_283 = tpu.memref_slice %arg6[%dma_wait3A_279, %dma_wait3A_281, %dma_wait3A_282] : memref<5x80x256xf32, #tpu.memory_space<vmem>> -> memref<1x80x256xf32, #tpu.memory_space<vmem>>
        %dma_wait3A_284 = tpu.memref_squeeze %dma_wait3A_283 : memref<1x80x256xf32, #tpu.memory_space<vmem>> -> memref<80x256xf32, #tpu.memory_space<vmem>>
        %dma_wait3A_285 = arith.constant 0 : i32
        %dma_wait3A_286 = tpu.memref_slice %arg4[%mul3A_278, %dma_wait3A_285] : memref<50000x256xf32, #tpu.memory_space<hbm>> -> memref<80x256xf32, #tpu.memory_space<hbm>>
        %dma_wait3A_287 = tpu.memref_slice %arg8[%dma_wait3A_280] : memref<5x!tpu.dma_semaphore, #tpu.memory_space<semaphore_mem>> -> memref<1x!tpu.dma_semaphore, #tpu.memory_space<semaphore_mem>>
        %dma_wait3A_288 = tpu.memref_squeeze %dma_wait3A_287 : memref<1x!tpu.dma_semaphore, #tpu.memory_space<semaphore_mem>> -> memref<!tpu.dma_semaphore, #tpu.memory_space<semaphore_mem>>
        %dma_wait3A_289 = arith.constant 0 : i32
        %dma_wait3A_290 = tpu.memref_slice %arg4[%mul3A_278, %dma_wait3A_289] : memref<50000x256xf32, #tpu.memory_space<hbm>> -> memref<80x256xf32, #tpu.memory_space<hbm>>
        %dma_wait3A_291 = arith.constant 0 : i32
        %dma_wait3A_292 = arith.constant 0 : i32
        %dma_wait3A_293 = tpu.memref_slice %arg6[%dma_wait3A_279, %dma_wait3A_291, %dma_wait3A_292] : memref<5x80x256xf32, #tpu.memory_space<vmem>> -> memref<1x80x256xf32, #tpu.memory_space<vmem>>
        %dma_wait3A_294 = tpu.memref_squeeze %dma_wait3A_293 : memref<1x80x256xf32, #tpu.memory_space<vmem>> -> memref<80x256xf32, #tpu.memory_space<vmem>>
        tpu.wait_dma2 semaphore(%dma_wait3A_288 : memref<!tpu.dma_semaphore, #tpu.memory_space<semaphore_mem>>) src(%dma_wait3A_294 : memref<80x256xf32, #tpu.memory_space<vmem>>) dst(%dma_wait3A_290 : memref<80x256xf32, #tpu.memory_space<hbm>>)
      } else {
      }
      %add3A_269 = arith.constant 5 : i32
      %add3A_270 = arith.addi %add3A_264, %add3A_269 : i32
      %lt3A_271 = arith.constant 20 : i32
      %lt3A_272 = arith.cmpi slt, %add3A_270, %lt3A_271 : i32
      %convert_element_type3A_273 = arith.extui %lt3A_272 : i1 to i32
      %cond3A_274 = arith.constant 0 : i32
      %cond3A_275 = arith.cmpi ne, %convert_element_type3A_273, %cond3A_274 : i32
      scf.if %cond3A_275 {
        %add3A_276 = arith.constant 5 : i32
        %add3A_277 = arith.addi %add3A_264, %add3A_276 : i32
        %mul3A_278 = arith.constant 80 : i32
        %mul3A_279 = arith.muli %add3A_277, %mul3A_278 : i32
        %dma_start3A_280 = arith.constant 4 : i32
        %dma_start3A_281 = arith.constant 4 : i32
        %dma_start3A_282 = arith.constant 0 : i32
        %dma_start3A_283 = arith.constant 0 : i32
        %dma_start3A_284 = tpu.memref_slice %arg6[%dma_start3A_280, %dma_start3A_282, %dma_start3A_283] : memref<5x80x256xf32, #tpu.memory_space<vmem>> -> memref<1x80x256xf32, #tpu.memory_space<vmem>>
        %dma_start3A_285 = tpu.memref_squeeze %dma_start3A_284 : memref<1x80x256xf32, #tpu.memory_space<vmem>> -> memref<80x256xf32, #tpu.memory_space<vmem>>
        %dma_start3A_286 = tpu.memref_slice %arg5[%mul3A_279] : memref<1600xi32, #tpu.memory_space<vmem>> -> memref<80xi32, #tpu.memory_space<vmem>>
        %dma_start3A_287 = arith.constant 0 : i32
        %dma_start3A_288 = arith.constant 0 : i32
        %dma_start3A_289 = tpu.memref_slice %arg2[%dma_start3A_287, %dma_start3A_288] : memref<50000x256xf32, #tpu.memory_space<hbm>> -> memref<50000x256xf32, #tpu.memory_space<hbm>>
        %dma_start3A_290 = tpu.memref_slice %arg7[%dma_start3A_281] : memref<5x!tpu.dma_semaphore, #tpu.memory_space<semaphore_mem>> -> memref<1x!tpu.dma_semaphore, #tpu.memory_space<semaphore_mem>>
        %dma_start3A_291 = tpu.memref_squeeze %dma_start3A_290 : memref<1x!tpu.dma_semaphore, #tpu.memory_space<semaphore_mem>> -> memref<!tpu.dma_semaphore, #tpu.memory_space<semaphore_mem>>
        tpu.enqueue_indirect_dma source(%dma_start3A_289 : memref<50000x256xf32, #tpu.memory_space<hbm>>) target(%dma_start3A_285 : memref<80x256xf32, #tpu.memory_space<vmem>>) offsets(%dma_start3A_286 : memref<80xi32, #tpu.memory_space<vmem>>) semaphore(%dma_start3A_291 : memref<!tpu.dma_semaphore, #tpu.memory_space<semaphore_mem>>)
      } else {
      }
    }
    %scan3A_92 = arith.constant 4 : i32
    return
  }
}

module attributes {stable_mosaic.version = 14 : i64} {
  func.func @_tc_copy_body(%arg0: i32, %arg1: memref<5000x256xf32, #tpu.memory_space<vmem>>, %arg2: memref<5000x256xf32, #tpu.memory_space<vmem>>) attributes {dimension_semantics = [#tpu.dimension_semantics<arbitrary>], iteration_bounds = array<i64: 10>, scalar_prefetch = 0 : i64, scratch_operands = 0 : i64, tpu.core_type = #tpu.core_type<tc>, window_params = [{transform_indices = @transform_0, window_bounds = array<i64: 5000, 256>}, {transform_indices = @transform_1, window_bounds = array<i64: 5000, 256>}]} {
    %get3A = arith.constant 0 : index
    %get3A_0 = arith.constant 0 : index
    %get3A_1 = vector.load %arg1[%get3A, %get3A_0] : memref<5000x256xf32, #tpu.memory_space<vmem>>, vector<5000x256xf32>
    %swap3A = arith.constant 0 : index
    %swap3A_2 = arith.constant 0 : index
    %swap3A_3 = vector.load %arg2[%swap3A, %swap3A_2] : memref<5000x256xf32, #tpu.memory_space<vmem>>, vector<5000x256xf32>
    tpu.vector_store %arg2[%swap3A, %swap3A_2], %get3A_1 {strides = array<i32>} : memref<5000x256xf32, #tpu.memory_space<vmem>>, vector<5000x256xf32>,
    return
  }
  func.func @transform_0(%arg0: i32) -> (i32, i32) {
    %c0_i32 = arith.constant 0 : i32
    %c0_i32_0 = arith.constant 0 : i32
    return %arg0, %c0_i32 : i32, i32
  }
  func.func @transform_1(%arg0: i32) -> (i32, i32) {
    %c0_i32 = arith.constant 0 : i32
    %c0_i32_0 = arith.constant 0 : i32
    return %arg0, %c0_i32 : i32, i32
  }
}

</mosaic_0001>

<sc_bundles>
// kernel: kernel.4.cloned.1.call-start
scs
__scs_entry_jumppad:
0x0: {  	(pc) =	sbr.rel $0x88, $3  }
0x1: {  	(tag) =	ssettag $0x0;
	lr =	simm.s32 $0x1  }
0x2: {  	[smem:$0x3F9E] =	sst lr;
	_ =	strace $0xD0000000  }
0x3: {  	_ = 	snop  }
0x4: {  	_ = 	snop  }
0x5: {  	_ = 	snop  }
0x6: {  	_ = 	snop  }
0x7: {  	_ = 	snop  }
__scs_overlays_trampoline_lowered:
0x8: {  	[smem:$0x3FAD] =	sst s0  }
0x9: {  	[smem:$0x3FAE] =	sst s1  }
0xa: {  	[smem:$0x3FAF] =	sst s2  }
0xb: {  	[smem:$0x3FB0] =	sst s3  }
0xc: {  	[smem:$0x3FB1] =	sst s4  }
0xd: {  	[smem:$0x3FB2] =	sst s5  }
0xe: {  	[smem:$0x3FB3] =	sst s6  }
0xf: {  	[smem:$0x3FB4] =	sst s7  }
0x10: {  	[smem:$0x3FB5] =	sst s8  }
0x11: {  	[smem:$0x3FB6] =	sst s9;
	s0 =	simm.s32 @!p0 $0x0  }
0x12: {  	s1 =	sld [smem:$0x3F9C];
	s0 =	simm.s32 @p0 $0x1  }
0x13: {  	[smem:$0x3FB7] =	sst s0;
	s0 =	simm.s32 @!p1 $0x0  }
0x14: {  	s2 =	sld [smem:$0x3F9B];
	s0 =	simm.s32 @p1 $0x1  }
0x15: {  	[smem:$0x3FB8] =	sst s0;
	s0 =	simm.s32 @!p2 $0x0  }
0x16: {  	s3 =	sld [smem:$0x3FDB];
	s0 =	simm.s32 @p2 $0x1  }
0x17: {  	s4 =	simm.s32 $0x1BF5;
	[smem:$0x3FBA] =	sst s0  }
0x18: {  	s0 =	sld [smem:$0x3F9D];
	_ =	swait.ge [sflag:s4], $0x0  }
0x19: {  	s7 =	sld [smem:$0x3F9E]  }
0x1a: {  	s8 =	sadd.s32 $0xFFFFE003, lr  }
0x1b: {  	s9 =	sadd.s32 $0xFFFFFEF7, lr;
	s5 =	simm.s32 $0xFFFFFFFF;
	p2 =	slt.u32 s8, $0xFFFFF086  }
0x1c: {  	p1 =	slt.u32 s9, $0xF7A;
	s5 =	simm.s32 @!p2 $0x0  }
0x1d: {  	s5 =	simm.s32 @p1 $0x1;
	p0 =	seq.s32 s7, s2  }
0x1e: {  	s7 =	smul.u32 @!p0 $0xF7A, s2;
	p2 =	seq.s32 @!p0 s5, $0x0  }
0x1f: {  	s9 =	smul.u32 $0xF7A, s1;
	s8 =	simm.s32 @!p0 $0x1BF5;
	p2 =	por !p2, p0  }
0x20: {  	[sflag:s8] =	ssyncset.s32 @!p0 $0xFFFFF086;
	s6 =	sadd.s32 @!p0 s3, s7;
	s7 =	simm.s32 @!p0 $0x108  }
0x21: {  	s3 =	sadd.s32 s3, s9;
	s6 =	sadd.s32 @!p0 $0x88, s6;
	s7 =	simm.s32 @p2 $0x1082  }
0x22: {  	[simem:s7], [sflag:s8] =	dma.local @!p0 [hbm:s6], $0xF7A  }
0x23: {  	s9 =	sor.u32 $0xD0000000, s2;
	s6 =	simm.s32 $0x108;
	_ =	swait.ge @!p0 [sflag:s8], $0x0  }
0x24: {  	s3 =	sadd.s32 $0x88, s3;
	s6 =	simm.s32 @!p1 $0x1082;
	[sflag:s4] =	ssyncset.s32 $0xFFFFF086  }
0x25: {  	[simem:s6], [sflag:s4] =	dma.local [hbm:s3], $0xF7A  }
0x26: {  	[smem:$0x3F9E] =	sst s1;
	(tag) =	ssettag s2;
	_ =	strace s9  }
0x27: {  	s1 =	sld [smem:$0x3FAE]  }
0x28: {  	s2 =	sld [smem:$0x3FAF]  }
0x29: {  	s4 =	sld [smem:$0x3FB1]  }
0x2a: {  	p0 =	seq.s32 s5, $0x0;
	s5 =	sld [smem:$0x3FB2]  }
0x2b: {  	s6 =	sld [smem:$0x3FB3]  }
0x2c: {  	s7 =	sld [smem:$0x3FB4]  }
0x2d: {  	s3 =	simm.s32 $0x108;
	s8 =	sld [smem:$0x3FB5]  }
0x2e: {  	s3 =	simm.s32 @!p0 $0x1082;
	s9 =	sld [smem:$0x3FB6]  }
0x2f: {  	lr =	sadd.s32 s0, s3;
	s0 =	sld [smem:$0x3FAD]  }
0x30: {  	s3 =	sld [smem:$0x3FB0]  }
0x31: {  	[smem:$0x3FB9] =	sst s10  }
0x32: {  	s10 =	sld [smem:$0x3FB7];
	_ =	sdelay $0x3  }
0x33: {  	p0 =	seq.s32 s10, $0x1;
	s10 =	sld [smem:$0x3FB9];
	_ =	sdelay $0x3  }
0x34: {  	[smem:$0x3FB9] =	sst s10  }
0x35: {  	s10 =	sld [smem:$0x3FB8];
	_ =	sdelay $0x3  }
0x36: {  	p1 =	seq.s32 s10, $0x1;
	s10 =	sld [smem:$0x3FB9];
	_ =	sdelay $0x3  }
0x37: {  	[smem:$0x3FB9] =	sst s10  }
0x38: {  	s10 =	sld [smem:$0x3FBA]  }
0x39: {  	_ = 	snop;
	(pc) =	sbr.ind lr, $3  }
0x3a: {  	_ = 	snop  }
0x3b: {  	_ = 	snop  }
0x3c: {  	p2 =	seq.s32 s10, $0x1;
	s10 =	sld [smem:$0x3FB9]  }
0x3d: {  	_ =	shalt  }
0x3e: {  	_ =	shalt  }
0x3f: {  	_ =	shalt  }
0x40: {  	_ =	shalt  }
0x41: {  	_ =	shalt  }
0x42: {  	_ =	shalt  }
0x43: {  	_ =	shalt  }
0x44: {  	_ =	shalt  }
0x45: {  	_ =	shalt  }
0x46: {  	_ =	shalt  }
0x47: {  	_ =	shalt  }
0x48: {  	_ =	shalt  }
0x49: {  	_ =	shalt  }
0x4a: {  	_ =	shalt  }
0x4b: {  	_ =	shalt  }
0x4c: {  	_ =	shalt  }
0x4d: {  	_ =	shalt  }
0x4e: {  	_ =	shalt  }
0x4f: {  	_ =	shalt  }
0x50: {  	_ =	shalt  }
0x51: {  	_ =	shalt  }
0x52: {  	_ =	shalt  }
0x53: {  	_ =	shalt  }
0x54: {  	_ =	shalt  }
0x55: {  	_ =	shalt  }
0x56: {  	_ =	shalt  }
0x57: {  	_ =	shalt  }
0x58: {  	_ =	shalt  }
0x59: {  	_ =	shalt  }
0x5a: {  	_ =	shalt  }
0x5b: {  	_ =	shalt  }
0x5c: {  	_ =	shalt  }
0x5d: {  	_ =	shalt  }
0x5e: {  	_ =	shalt  }
0x5f: {  	_ =	shalt  }
0x60: {  	_ =	shalt  }
0x61: {  	_ =	shalt  }
0x62: {  	_ =	shalt  }
0x63: {  	_ =	shalt  }
0x64: {  	_ =	shalt  }
0x65: {  	_ =	shalt  }
0x66: {  	_ =	shalt  }
0x67: {  	_ =	shalt  }
0x68: {  	_ =	shalt  }
0x69: {  	_ =	shalt  }
0x6a: {  	_ =	shalt  }
0x6b: {  	_ =	shalt  }
0x6c: {  	_ =	shalt  }
0x6d: {  	_ =	shalt  }
0x6e: {  	_ =	shalt  }
0x6f: {  	_ =	shalt  }
0x70: {  	_ =	shalt  }
0x71: {  	_ =	shalt  }
0x72: {  	_ =	shalt  }
0x73: {  	_ =	shalt  }
0x74: {  	_ =	shalt  }
0x75: {  	_ =	shalt  }
0x76: {  	_ =	shalt  }
0x77: {  	_ =	shalt  }
0x78: {  	_ =	shalt  }
0x79: {  	_ =	shalt  }
0x7a: {  	_ =	shalt  }
0x7b: {  	_ =	shalt  }
0x7c: {  	_ =	shalt  }
0x7d: {  	_ =	shalt  }
0x7e: {  	_ =	shalt  }
0x7f: {  	_ =	shalt  }
0x80: {  	_ =	shalt  }
0x81: {  	_ =	shalt  }
0x82: {  	_ =	shalt  }
0x83: {  	_ =	shalt  }
0x84: {  	_ =	shalt  }
0x85: {  	_ =	shalt  }
0x86: {  	_ =	shalt  }
0x87: {  	_ =	shalt  }
.Lfunc_end0:
.L_simem_size_0:
called_computation_lowered:
.L_overlay_start_0:
0x88: {  	s2 =	sld [smem:$0x3FD9]  }
0x89: {  	s3 =	sld [smem:$0x3FFE];
	_ =	sdelay $0x1  }
0x8a: {  	s1 =	srdreg.scid  }
0x8b: {  	s0 =	sand.u32 $0x1, s1  }
0x8c: {  	s15 =	sshll.u32 s0, $0xA;
	s2 =	sadd.s32 s3, s2  }
0x8d: {  	s2 =	sadd.s32 s2, s15  }
0x8e: {  	[smem:$0x3FC5] =	sst s2  }
0x8f: {  	_ = 	snop  }
0x90: {  	s2 =	sld [smem:$0x3FD0];
	_ =	sdelay $0x1  }
0x91: {  	s16 =	sld [smem:$0x3FC9]  }
0x92: {  	s5 =	simm.s32 $0xA;
	s6 =	simm.s32 $0x10;
	s4 =	sld [smem:$0x3FC7]  }
0x93: {  	[smem:s6], [sflag:s5] =	dma.local [hbm:s2], $0x1  }
0x94: {  	_ =	swait.eq [sflag:s5], $0x1  }
0x95: {  	[sflag:s5] =	ssyncset.done $0x0  }
0x96: {  	[sflag:s5] =	ssyncadd.s32 $0xFFFFFFFF  }
0x97: {  	s17 =	sld [smem:$0x10];
	(tm) =	ssettm $0x1  }
0x98: {  	s18 =	sld [smem:$0x3FFB];
	_ =	sdelay $0x3  }
0x99: {  	_ =	strace s18  }
0x9a: {  	s5 =	sld [smem:$0x3FFC];
	_ =	sdelay $0x3  }
0x9b: {  	_ =	strace s5  }
0x9c: {  	s5 =	sld [smem:$0x3FFD];
	_ =	sdelay $0x3  }
0x9d: {  	_ =	strace s5  }
0x9e: {  	_ =	strace $0x8FFFFFFF  }
0x9f: {  	s19 =	sld [smem:$0x3FDB];
	_ =	sdelay $0x1  }
0xa0: {  	s20 =	simm.s32 $_scs_section_size  }
0xa1: {  	s7 =	simm.s32 $_size__tile_overlayer_lowered;
	s8 =	simm.s32 $_tile_overlayer_lowered  }
0xa2: {  	s23 =	simm.s32 $0x1BFF;
	s22 =	sshll.u32 s8, $0x1;
	s5 =	sadd.s32 s20, s19  }
0xa3: {  	s9 =	simm.s32 $0x0;
	s21 =	sshll.u32 s7, $0x1;
	s7 =	sadd.s32 s22, s5  }
0xa4: {  	[timem:s9], [sflag:s23] =	dma.local [hbm:s7], s21  }
0xa5: {  	_ =	swait.ge [sflag:s23], s21  }
0xa6: {  	s6 =	ssub.s32 $0x0, s21;
	[sflag:s23] =	ssyncset.done $0x0  }
0xa7: {  	[sflag:s23] =	ssyncadd.s32 s6;
	_ =	sdelay $0x1  }
0xa8: {  	s24 =	simm.s32 $0x1B8B  }
0xa9: {  	_ =	swait.ge [sflag:s24], $0x1  }
0xaa: {  	[sflag:s24] =	ssyncset.done $0x0  }
0xab: {  	s25 =	simm.s32 $0x1B8E;
	[sflag:s24] =	ssyncadd.s32 $0xFFFFFFFF  }
0xac: {  	s26 =	simm.s32 $execute0_lowered;
	[smem:$0x3FD2] =	sst s25  }
0xad: {  	s6 =	sshll.u32 s26, $0x1;
	_ =	strace $0x80000046;
	[dreg:$0x1] =	wrdreg $0xFFFFFFFF  }
0xae: {  	s28 =	simm.s32 $_size_execute0_lowered;
	s5 =	sadd.s32 s5, s6;
	[dreg:$0x0] =	wrdreg $0x0  }
0xaf: {  	s6 =	sshll.u32 s28, $0x1;
	[dreg:$0x2] =	wrdreg s5  }
0xb0: {  	[dreg:$0x3] =	wrdreg s6  }
0xb1: {  	[dreg:$0x4] =	wrdreg $0xC0  }
0xb2: {  	_ =	task [dreg:s9], $0x5FFFF  }
0xb3: {  	[dreg:$0x1] =	wrdreg $0xFFFFFFFF  }
0xb4: {  	[dreg:$0x0] =	wrdreg $0x60  }
0xb5: {  	[dreg:$0x2] =	wrdreg s4  }
0xb6: {  	[dreg:$0x3] =	wrdreg s16  }
0xb7: {  	[dreg:$0x4] =	wrdreg s17  }
0xb8: {  	[dreg:$0x5] =	wrdreg $0x9  }
0xb9: {  	_ =	task.clear_ibuf [dreg:s9], $0x6FFFF;
	_ =	strace $0x90000046  }
0xba: {  	s29 =	simm.s32 $0x9;
	_ =	strace $0x80000048  }
0xbb: {  	_ =	swait.ge [sflag:s29], $0x1  }
0xbc: {  	[sflag:s29] =	ssyncadd.s32 $0xFFFFFFFF  }
0xbd: {  	_ =	strace $0x90000048  }
0xbe: {  	_ =	sfence  }
0xbf: {  	s30 =	sld [smem:$0x0];
	_ =	sdelay $0x2  }
0xc0: {  	s31 =	sshll.u32 s1, $0xD;
	s1 =	sshrl.u32 s1, $0x2  }
0xc1: {  	s3 =	sand.u32 $0x4000, s31;
	s1 =	sadd.s32 s1, s30  }
0xc2: {  	s0 =	sor.u32 s3, s0;
	s1 =	sshll.u32 s1, $0x11  }
0xc3: {  	s0 =	sor.u32 s1, s0  }
0xc4: {  	s0 =	sadd.s32 $0x8F2B, s0  }
0xc5: {  	[sflag:s0] =	ssyncadd.remote.s32 $0x1  }
0xc6: {  	_ =	sfence.sel $0xFFFF  }
0xc7: {  	[dreg:$0x0] =	wrdreg $0xFFFFFFFF;
	(pc) =	sbr.abs _section_cstart, $3  }
0xc8: {  	[dreg:$0x1] =	wrdreg $0xFFFFFFFF  }
0xc9: {  	_ =	task.clear_ibuf [dreg:s9], $0x2FFFF;
	_ =	strace $0x9FFFFFFF  }
0xca: {  	(tm) =	ssettm $0x7FFFFFFF  }
0xcb: {  	_ =	shalt  }
tec
execute0_lowered:
.L_overlay_start_1:
0x0: {  	(tag) =	ssettag $0x1  }
0x1: {  	s1 =	rddreg [dreg:$0x0]  }
0x2: {  	s0 =	srdreg.scid;
	s2 =	rddreg [dreg:$0x1]  }
0x3: {  	s13 =	stileid.u32;
	s5 =	rddreg [dreg:$0x2];
	s21 =	simm.s32 $0x12680  }
0x4: {  	s28 =	simm.s32 $0x15680;
	s29 =	simm.s32 $0x15E80;
	s30 =	simm.s32 $0x16680  }
0x5: {  	s31 =	simm.s32 $0x16E80;
	s14 =	simm.s32 $0x6;
	s16 =	simm.s32 $0x0  }
0x6: {  	s0 =	sand.u32 $0x1, s0;
	s3 =	sshll.u32 s13, $0x1;
	s25 =	smul.u32 $0x17C00, s13  }
0x7: {  	s6 =	sor.u32 s0, s3;
	s8 =	ssub.s32 $0x2, s0;
	s0 =	smul.u32 $0xBE00, s0  }
0x8: {  	s13 =	simm.s32 $0x5;
	s3 =	simm.s32 $0x0;
	s4 =	smul.u32 $0x13, s6  }
0x9: {  	[smem:$0x7FF] =	sst s3;
	s7 =	smul.u32 $0x14, s6;
	p0 =	slt.u32 s6, $0x11  }
0xa: {  	s10 =	sshrl.u32 s8, $0x1;
	s6 =	smin.u32 s6, $0x11;
	s5 =	sadd.s32 s25, s5  }
0xb: {  	s25 =	simm.s32 $0x14680;
	_ =	strace $0x80000047;
	s22 =	ssub.s32 s8, s10  }
0xc: {  	s6 =	smul.u32 $0xA00, s6;
	s0 =	sadd.s32 s0, s5;
	s5 =	simm.s32 $0x18680  }
0xd: {  	s10 =	simm.s32 $0x3;
	s9 =	sadd.s32 $0x11, s4;
	s12 =	sadd.s32 $0x24, s4  }
0xe: {  	s4 =	simm.s32 $0x14;
	s26 =	smax.u32 s22, $0x1;
	s22 =	simm.s32 $0x12E80  }
0xf: {  	s9 =	smov.u32 @p0 s7;
	s7 =	sadd.s32 $0x14, s7;
	s4 =	simm.s32 @!p0 $0x13  }
0x10: {  	[dreg:$0x7] =	wrdreg s26;
	s26 =	simm.s32 $0x14E80;
	s11 =	smul.u32 $0xA, s9  }
0x11: {  	s9 =	smul.u32 $0x50, s9;
	s12 =	smov.u32 @p0 s7;
	s7 =	simm.s32 $0x1  }
0x12: {  	s23 =	smul.u32 $0x50, s12;
	s12 =	simm.s32 $0x4;
	s24 =	sadd.s32 s2, s11  }
0x13: {  	s9 =	sshrl.u32 s9, $0x3;
	s11 =	simm.s32 $0x680;
	[dreg:$0x4] =	wrdreg s24  }
.Ltmp0:
0x14: {  	s9 =	sadd.s32 s2, s9;
	s8 =	sadd.s32 $0xFFFFFFB0, s23;
	(pc) =	sbr.rel .LBB2_1-.Ltmp0, $4  }
0x15: {  	s23 =	simm.s32 $0x13680;
	s9 =	sadd.s32 $0x32, s9;
	s8 =	sshrl.u32 s8, $0x3  }
0x16: {  	v2 =	vlaneseq.u32;
	s24 =	simm.s32 $0x13E80;
	[dreg:$0x5] =	wrdreg s9;
	s2 =	sadd.s32 s2, s8  }
0x17: {  	vm0 =	vmmov $0xffff;
	v1 =	vshrl.u32 v2, $0x3;
	s9 =	sadd.s32 s6, s0;
	s0 =	simm.s32 $0x17E80;
	s6 =	simm.s32 $0x18E80  }
0x18: {  	v0 =	vand.u32 $0x7, v2;
	v2 =	vor.u32 $0x8, v2;
	v1 =	vmul.u32 $0x8, v1;
	s8 =	simm.s32 $0x2;
	[dreg:$0x6] =	wrdreg s2;
	s2 =	simm.s32 $0x17680  }
.LBB2_12:
0x19: {  	s16 =	rddreg [dreg:$0x8]  }
0x1a: {  	s15 =	rddreg [dreg:$0x7];
	s16 =	sadd.s32 $0x1, s16  }
0x1b: {  	p0 =	sne.s32 s16, s15  }
.Ltmp1:
0x1c: {  	_ = 	snop;
	(pc) =	sbr.rel @!p0 .LBB2_13-.Ltmp1, $1  }
0x1d: {  	_ =	sdelay $0x3  }
.LBB2_1:
0x1e: {  	[dreg:$0x8] =	wrdreg s16  }
0x1f: {  	s15 =	rddreg [dreg:$0x4];
	s16 =	simm.s32 $0xB  }
0x20: {  	[tilespmem:s3], [sflag:$0xB] =	stream.linear.gather [hbm4b:s15+s3], $0x190, $0x38;
	[tilespmem:$0x19680] =	vst v63  }
0x21: {  	_ =	swait.ge [sflag:s16], $0x190  }
0x22: {  	[sflag:s16] =	ssyncset.done $0x0  }
0x23: {  	[sflag:s16] =	ssyncadd.s32 $0xFFFFFE70  }
0x24: {  	v3 =	vld [tilespmem:$0x0];
	_ =	sdelay $0x4  }
0x25: {  	v4 =	vshll.u32 v3, $0x1  }
0x26: {  	v3 =	vand.u32 $0x7, v3;
	v4 =	vand.u32 $0xFFFFFFF0, v4  }
0x27: {  	v3 =	vor.u32 v3, v4  }
0x28: {  	v4 =	vperm.xlane v3, v0;
	_ =	sdelay $0x1  }
0x29: {  	v3 =	vperm.xlane v3, v2;
	v4 =	vadd.s32 v1, v4;
	_ =	sdelay $0x1  }
0x2a: {  	v3 =	vadd.s32 v1, v3;
	_ =	sdelay $0x2  }
0x2b: {  	[tilespmem:s11], [sflag:$0x1] =	stream.indirect_vreg.gather [hbm4b:s1+s3], $0x80, v4, vm0, $0xb8;
	[tilespmem:$0x19680] =	vst v63  }
0x2c: {  	s19 =	simm.s32 $0xE80  }
0x2d: {  	[tilespmem:s19], [sflag:$0x1] =	stream.indirect_vreg.gather [hbm4b:s1+s3], $0x80, v3, vm0, $0xb8;
	[tilespmem:$0x19680] =	vst v63  }
0x2e: {  	v3 =	vld [tilespmem:$0x10];
	_ =	sdelay $0x4  }
0x2f: {  	v40 =	vshll.u32 v3, $0x1  }
0x30: {  	v3 =	vand.u32 $0x7, v3;
	v4 =	vand.u32 $0xFFFFFFF0, v40  }
0x31: {  	v3 =	vor.u32 v3, v4  }
0x32: {  	v4 =	vperm.xlane v3, v0;
	_ =	sdelay $0x1  }
0x33: {  	v3 =	vperm.xlane v3, v2;
	v4 =	vadd.s32 v1, v4;
	_ =	sdelay $0x1  }
0x34: {  	v3 =	vadd.s32 v1, v3;
	_ =	sdelay $0x1  }
0x35: {  	s20 =	simm.s32 $0x1680  }
0x36: {  	[tilespmem:s20], [sflag:$0x1] =	stream.indirect_vreg.gather [hbm4b:s1+s3], $0x80, v4, vm0, $0xb8;
	[tilespmem:$0x19680] =	vst v63  }
0x37: {  	s17 =	simm.s32 $0x1E80  }
0x38: {  	[tilespmem:s17], [sflag:$0x1] =	stream.indirect_vreg.gather [hbm4b:s1+s3], $0x80, v3, vm0, $0xb8;
	[tilespmem:$0x19680] =	vst v63  }
0x39: {  	v3 =	vld [tilespmem:$0x20];
	_ =	sdelay $0x4  }
0x3a: {  	v41 =	vshll.u32 v3, $0x1  }
0x3b: {  	v3 =	vand.u32 $0x7, v3;
	v4 =	vand.u32 $0xFFFFFFF0, v41  }
0x3c: {  	v3 =	vor.u32 v3, v4  }
0x3d: {  	v4 =	vperm.xlane v3, v0;
	_ =	sdelay $0x1  }
0x3e: {  	v3 =	vperm.xlane v3, v2;
	v4 =	vadd.s32 v1, v4;
	_ =	sdelay $0x1  }
0x3f: {  	v3 =	vadd.s32 v1, v3;
	_ =	sdelay $0x1  }
0x40: {  	s18 =	simm.s32 $0x2680  }
0x41: {  	[tilespmem:s18], [sflag:$0x1] =	stream.indirect_vreg.gather [hbm4b:s1+s3], $0x80, v4, vm0, $0xb8;
	[tilespmem:$0x19680] =	vst v63  }
0x42: {  	s19 =	simm.s32 $0x2E80  }
0x43: {  	[tilespmem:s19], [sflag:$0x1] =	stream.indirect_vreg.gather [hbm4b:s1+s3], $0x80, v3, vm0, $0xb8;
	[tilespmem:$0x19680] =	vst v63  }
0x44: {  	v3 =	vld [tilespmem:$0x30];
	_ =	sdelay $0x4  }
0x45: {  	v42 =	vshll.u32 v3, $0x1  }
0x46: {  	v3 =	vand.u32 $0x7, v3;
	v4 =	vand.u32 $0xFFFFFFF0, v42  }
0x47: {  	v3 =	vor.u32 v3, v4  }
0x48: {  	v4 =	vperm.xlane v3, v0;
	_ =	sdelay $0x1  }
0x49: {  	v3 =	vperm.xlane v3, v2;
	v4 =	vadd.s32 v1, v4;
	_ =	sdelay $0x1  }
0x4a: {  	v3 =	vadd.s32 v1, v3;
	_ =	sdelay $0x1  }
0x4b: {  	s20 =	simm.s32 $0x3680  }
0x4c: {  	[tilespmem:s20], [sflag:$0x1] =	stream.indirect_vreg.gather [hbm4b:s1+s3], $0x80, v4, vm0, $0xb8;
	[tilespmem:$0x19680] =	vst v63  }
0x4d: {  	s17 =	simm.s32 $0x3E80  }
0x4e: {  	[tilespmem:s17], [sflag:$0x1] =	stream.indirect_vreg.gather [hbm4b:s1+s3], $0x80, v3, vm0, $0xb8;
	[tilespmem:$0x19680] =	vst v63  }
0x4f: {  	v3 =	vld [tilespmem:$0x40];
	_ =	sdelay $0x4  }
0x50: {  	v43 =	vshll.u32 v3, $0x1  }
0x51: {  	v3 =	vand.u32 $0x7, v3;
	v4 =	vand.u32 $0xFFFFFFF0, v43  }
0x52: {  	v3 =	vor.u32 v3, v4  }
0x53: {  	v4 =	vperm.xlane v3, v0;
	_ =	sdelay $0x1  }
0x54: {  	v3 =	vperm.xlane v3, v2;
	v4 =	vadd.s32 v1, v4;
	_ =	sdelay $0x1  }
0x55: {  	v3 =	vadd.s32 v1, v3;
	_ =	sdelay $0x1  }
0x56: {  	s18 =	simm.s32 $0x4680  }
0x57: {  	[tilespmem:s18], [sflag:$0x1] =	stream.indirect_vreg.gather [hbm4b:s1+s3], $0x80, v4, vm0, $0xb8;
	[tilespmem:$0x19680] =	vst v63  }
0x58: {  	s19 =	simm.s32 $0x4E80  }
0x59: {  	[tilespmem:s19], [sflag:$0x1] =	stream.indirect_vreg.gather [hbm4b:s1+s3], $0x80, v3, vm0, $0xb8;
	[tilespmem:$0x19680] =	vst v63  }
0x5a: {  	v3 =	vld [tilespmem:$0x50];
	_ =	sdelay $0x4  }
0x5b: {  	v44 =	vshll.u32 v3, $0x1  }
0x5c: {  	v3 =	vand.u32 $0x7, v3;
	v4 =	vand.u32 $0xFFFFFFF0, v44  }
0x5d: {  	v3 =	vor.u32 v3, v4  }
0x5e: {  	v4 =	vperm.xlane v3, v0;
	_ =	sdelay $0x1  }
0x5f: {  	v3 =	vperm.xlane v3, v2;
	v4 =	vadd.s32 v1, v4;
	_ =	sdelay $0x1  }
0x60: {  	v3 =	vadd.s32 v1, v3;
	_ =	sdelay $0x1  }
0x61: {  	s20 =	simm.s32 $0x5680  }
0x62: {  	[tilespmem:s20], [sflag:$0x2] =	stream.indirect_vreg.gather [hbm4b:s1+s3], $0x80, v4, vm0, $0xb8;
	[tilespmem:$0x19680] =	vst v63  }
0x63: {  	s17 =	simm.s32 $0x5E80  }
0x64: {  	[tilespmem:s17], [sflag:$0x2] =	stream.indirect_vreg.gather [hbm4b:s1+s3], $0x80, v3, vm0, $0xb8;
	[tilespmem:$0x19680] =	vst v63  }
0x65: {  	v3 =	vld [tilespmem:$0x60];
	_ =	sdelay $0x4  }
0x66: {  	v45 =	vshll.u32 v3, $0x1  }
0x67: {  	v3 =	vand.u32 $0x7, v3;
	v4 =	vand.u32 $0xFFFFFFF0, v45  }
0x68: {  	v3 =	vor.u32 v3, v4  }
0x69: {  	v4 =	vperm.xlane v3, v0;
	_ =	sdelay $0x1  }
0x6a: {  	v3 =	vperm.xlane v3, v2;
	v4 =	vadd.s32 v1, v4;
	_ =	sdelay $0x1  }
0x6b: {  	v3 =	vadd.s32 v1, v3;
	_ =	sdelay $0x1  }
0x6c: {  	s18 =	simm.s32 $0x6680  }
0x6d: {  	[tilespmem:s18], [sflag:$0x2] =	stream.indirect_vreg.gather [hbm4b:s1+s3], $0x80, v4, vm0, $0xb8;
	[tilespmem:$0x19680] =	vst v63  }
0x6e: {  	s19 =	simm.s32 $0x6E80  }
0x6f: {  	[tilespmem:s19], [sflag:$0x2] =	stream.indirect_vreg.gather [hbm4b:s1+s3], $0x80, v3, vm0, $0xb8;
	[tilespmem:$0x19680] =	vst v63  }
0x70: {  	v3 =	vld [tilespmem:$0x70];
	_ =	sdelay $0x4  }
0x71: {  	v46 =	vshll.u32 v3, $0x1  }
0x72: {  	v3 =	vand.u32 $0x7, v3;
	v4 =	vand.u32 $0xFFFFFFF0, v46  }
0x73: {  	v3 =	vor.u32 v3, v4  }
0x74: {  	v4 =	vperm.xlane v3, v0;
	_ =	sdelay $0x1  }
0x75: {  	v3 =	vperm.xlane v3, v2;
	v4 =	vadd.s32 v1, v4;
	_ =	sdelay $0x1  }
0x76: {  	v3 =	vadd.s32 v1, v3;
	_ =	sdelay $0x1  }
0x77: {  	s20 =	simm.s32 $0x7680  }
0x78: {  	[tilespmem:s20], [sflag:$0x2] =	stream.indirect_vreg.gather [hbm4b:s1+s3], $0x80, v4, vm0, $0xb8;
	[tilespmem:$0x19680] =	vst v63  }
0x79: {  	s17 =	simm.s32 $0x7E80  }
0x7a: {  	[tilespmem:s17], [sflag:$0x2] =	stream.indirect_vreg.gather [hbm4b:s1+s3], $0x80, v3, vm0, $0xb8;
	[tilespmem:$0x19680] =	vst v63  }
0x7b: {  	v3 =	vld [tilespmem:$0x80];
	_ =	sdelay $0x4  }
0x7c: {  	v47 =	vshll.u32 v3, $0x1  }
0x7d: {  	v3 =	vand.u32 $0x7, v3;
	v4 =	vand.u32 $0xFFFFFFF0, v47  }
0x7e: {  	v3 =	vor.u32 v3, v4  }
0x7f: {  	v4 =	vperm.xlane v3, v0;
	_ =	sdelay $0x1  }
0x80: {  	v3 =	vperm.xlane v3, v2;
	v4 =	vadd.s32 v1, v4;
	_ =	sdelay $0x1  }
0x81: {  	v3 =	vadd.s32 v1, v3;
	_ =	sdelay $0x1  }
0x82: {  	s18 =	simm.s32 $0x8680  }
0x83: {  	[tilespmem:s18], [sflag:$0x2] =	stream.indirect_vreg.gather [hbm4b:s1+s3], $0x80, v4, vm0, $0xb8;
	[tilespmem:$0x19680] =	vst v63  }
0x84: {  	s19 =	simm.s32 $0x8E80  }
0x85: {  	[tilespmem:s19], [sflag:$0x2] =	stream.indirect_vreg.gather [hbm4b:s1+s3], $0x80, v3, vm0, $0xb8;
	[tilespmem:$0x19680] =	vst v63  }
0x86: {  	v3 =	vld [tilespmem:$0x90];
	_ =	sdelay $0x4  }
0x87: {  	v48 =	vshll.u32 v3, $0x1  }
0x88: {  	v3 =	vand.u32 $0x7, v3;
	v4 =	vand.u32 $0xFFFFFFF0, v48  }
0x89: {  	v3 =	vor.u32 v3, v4  }
0x8a: {  	v4 =	vperm.xlane v3, v0;
	_ =	sdelay $0x1  }
0x8b: {  	v3 =	vperm.xlane v3, v2;
	v4 =	vadd.s32 v1, v4;
	_ =	sdelay $0x1  }
0x8c: {  	v3 =	vadd.s32 v1, v3;
	_ =	sdelay $0x1  }
0x8d: {  	s20 =	simm.s32 $0x9680  }
0x8e: {  	[tilespmem:s20], [sflag:$0x2] =	stream.indirect_vreg.gather [hbm4b:s1+s3], $0x80, v4, vm0, $0xb8;
	[tilespmem:$0x19680] =	vst v63  }
0x8f: {  	s17 =	simm.s32 $0x9E80  }
0x90: {  	[tilespmem:s17], [sflag:$0x2] =	stream.indirect_vreg.gather [hbm4b:s1+s3], $0x80, v3, vm0, $0xb8;
	[tilespmem:$0x19680] =	vst v63  }
0x91: {  	v3 =	vld [tilespmem:$0xA0];
	_ =	sdelay $0x4  }
0x92: {  	v49 =	vshll.u32 v3, $0x1  }
0x93: {  	v3 =	vand.u32 $0x7, v3;
	v4 =	vand.u32 $0xFFFFFFF0, v49  }
0x94: {  	v3 =	vor.u32 v3, v4  }
0x95: {  	v4 =	vperm.xlane v3, v0;
	_ =	sdelay $0x1  }
0x96: {  	v3 =	vperm.xlane v3, v2;
	v4 =	vadd.s32 v1, v4;
	_ =	sdelay $0x1  }
0x97: {  	v3 =	vadd.s32 v1, v3;
	_ =	sdelay $0x1  }
0x98: {  	s18 =	simm.s32 $0xA680  }
0x99: {  	[tilespmem:s18], [sflag:$0x3] =	stream.indirect_vreg.gather [hbm4b:s1+s3], $0x80, v4, vm0, $0xb8;
	[tilespmem:$0x19680] =	vst v63  }
0x9a: {  	s19 =	simm.s32 $0xAE80  }
0x9b: {  	[tilespmem:s19], [sflag:$0x3] =	stream.indirect_vreg.gather [hbm4b:s1+s3], $0x80, v3, vm0, $0xb8;
	[tilespmem:$0x19680] =	vst v63  }
0x9c: {  	v3 =	vld [tilespmem:$0xB0];
	_ =	sdelay $0x4  }
0x9d: {  	v50 =	vshll.u32 v3, $0x1  }
0x9e: {  	v3 =	vand.u32 $0x7, v3;
	v4 =	vand.u32 $0xFFFFFFF0, v50  }
0x9f: {  	v3 =	vor.u32 v3, v4  }
0xa0: {  	v4 =	vperm.xlane v3, v0;
	_ =	sdelay $0x1  }
0xa1: {  	v3 =	vperm.xlane v3, v2;
	v4 =	vadd.s32 v1, v4;
	_ =	sdelay $0x1  }
0xa2: {  	v3 =	vadd.s32 v1, v3;
	_ =	sdelay $0x1  }
0xa3: {  	s20 =	simm.s32 $0xB680  }
0xa4: {  	[tilespmem:s20], [sflag:$0x3] =	stream.indirect_vreg.gather [hbm4b:s1+s3], $0x80, v4, vm0, $0xb8;
	[tilespmem:$0x19680] =	vst v63  }
0xa5: {  	s17 =	simm.s32 $0xBE80  }
0xa6: {  	[tilespmem:s17], [sflag:$0x3] =	stream.indirect_vreg.gather [hbm4b:s1+s3], $0x80, v3, vm0, $0xb8;
	[tilespmem:$0x19680] =	vst v63  }
0xa7: {  	v3 =	vld [tilespmem:$0xC0];
	_ =	sdelay $0x4  }
0xa8: {  	v51 =	vshll.u32 v3, $0x1  }
0xa9: {  	v3 =	vand.u32 $0x7, v3;
	v4 =	vand.u32 $0xFFFFFFF0, v51  }
0xaa: {  	v3 =	vor.u32 v3, v4  }
0xab: {  	v4 =	vperm.xlane v3, v0;
	_ =	sdelay $0x1  }
0xac: {  	v3 =	vperm.xlane v3, v2;
	v4 =	vadd.s32 v1, v4;
	_ =	sdelay $0x1  }
0xad: {  	v3 =	vadd.s32 v1, v3;
	_ =	sdelay $0x1  }
0xae: {  	s18 =	simm.s32 $0xC680  }
0xaf: {  	[tilespmem:s18], [sflag:$0x3] =	stream.indirect_vreg.gather [hbm4b:s1+s3], $0x80, v4, vm0, $0xb8;
	[tilespmem:$0x19680] =	vst v63  }
0xb0: {  	s19 =	simm.s32 $0xCE80  }
0xb1: {  	[tilespmem:s19], [sflag:$0x3] =	stream.indirect_vreg.gather [hbm4b:s1+s3], $0x80, v3, vm0, $0xb8;
	[tilespmem:$0x19680] =	vst v63  }
0xb2: {  	v3 =	vld [tilespmem:$0xD0];
	_ =	sdelay $0x4  }
0xb3: {  	v52 =	vshll.u32 v3, $0x1  }
0xb4: {  	v3 =	vand.u32 $0x7, v3;
	v4 =	vand.u32 $0xFFFFFFF0, v52  }
0xb5: {  	v3 =	vor.u32 v3, v4  }
0xb6: {  	v4 =	vperm.xlane v3, v0;
	_ =	sdelay $0x1  }
0xb7: {  	v3 =	vperm.xlane v3, v2;
	v4 =	vadd.s32 v1, v4;
	_ =	sdelay $0x1  }
0xb8: {  	v3 =	vadd.s32 v1, v3;
	_ =	sdelay $0x1  }
0xb9: {  	s20 =	simm.s32 $0xD680  }
0xba: {  	[tilespmem:s20], [sflag:$0x3] =	stream.indirect_vreg.gather [hbm4b:s1+s3], $0x80, v4, vm0, $0xb8;
	[tilespmem:$0x19680] =	vst v63  }
0xbb: {  	s17 =	simm.s32 $0xDE80  }
0xbc: {  	[tilespmem:s17], [sflag:$0x3] =	stream.indirect_vreg.gather [hbm4b:s1+s3], $0x80, v3, vm0, $0xb8;
	[tilespmem:$0x19680] =	vst v63  }
0xbd: {  	v3 =	vld [tilespmem:$0xE0];
	_ =	sdelay $0x4  }
0xbe: {  	v53 =	vshll.u32 v3, $0x1  }
0xbf: {  	v3 =	vand.u32 $0x7, v3;
	v4 =	vand.u32 $0xFFFFFFF0, v53  }
0xc0: {  	v3 =	vor.u32 v3, v4  }
0xc1: {  	v4 =	vperm.xlane v3, v0;
	_ =	sdelay $0x1  }
0xc2: {  	v3 =	vperm.xlane v3, v2;
	v4 =	vadd.s32 v1, v4;
	_ =	sdelay $0x1  }
0xc3: {  	v3 =	vadd.s32 v1, v3;
	_ =	sdelay $0x1  }
0xc4: {  	s18 =	simm.s32 $0xE680  }
0xc5: {  	[tilespmem:s18], [sflag:$0x3] =	stream.indirect_vreg.gather [hbm4b:s1+s3], $0x80, v4, vm0, $0xb8;
	[tilespmem:$0x19680] =	vst v63  }
0xc6: {  	s19 =	simm.s32 $0xEE80  }
0xc7: {  	[tilespmem:s19], [sflag:$0x3] =	stream.indirect_vreg.gather [hbm4b:s1+s3], $0x80, v3, vm0, $0xb8;
	[tilespmem:$0x19680] =	vst v63  }
0xc8: {  	v3 =	vld [tilespmem:$0xF0];
	_ =	sdelay $0x4  }
0xc9: {  	v54 =	vshll.u32 v3, $0x1  }
0xca: {  	v3 =	vand.u32 $0x7, v3;
	v4 =	vand.u32 $0xFFFFFFF0, v54  }
0xcb: {  	v3 =	vor.u32 v3, v4  }
0xcc: {  	v4 =	vperm.xlane v3, v0;
	_ =	sdelay $0x1  }
0xcd: {  	v3 =	vperm.xlane v3, v2;
	v4 =	vadd.s32 v1, v4;
	_ =	sdelay $0x1  }
0xce: {  	v3 =	vadd.s32 v1, v3;
	_ =	sdelay $0x1  }
0xcf: {  	s20 =	simm.s32 $0xF680  }
0xd0: {  	[tilespmem:s20], [sflag:$0x4] =	stream.indirect_vreg.gather [hbm4b:s1+s3], $0x80, v4, vm0, $0xb8;
	[tilespmem:$0x19680] =	vst v63  }
0xd1: {  	s17 =	simm.s32 $0xFE80  }
0xd2: {  	[tilespmem:s17], [sflag:$0x4] =	stream.indirect_vreg.gather [hbm4b:s1+s3], $0x80, v3, vm0, $0xb8;
	[tilespmem:$0x19680] =	vst v63  }
0xd3: {  	v3 =	vld [tilespmem:$0x100];
	_ =	sdelay $0x4  }
0xd4: {  	v55 =	vshll.u32 v3, $0x1  }
0xd5: {  	v3 =	vand.u32 $0x7, v3;
	v4 =	vand.u32 $0xFFFFFFF0, v55  }
0xd6: {  	v3 =	vor.u32 v3, v4  }
0xd7: {  	v4 =	vperm.xlane v3, v0;
	_ =	sdelay $0x1  }
0xd8: {  	v3 =	vperm.xlane v3, v2;
	v4 =	vadd.s32 v1, v4;
	_ =	sdelay $0x1  }
0xd9: {  	v3 =	vadd.s32 v1, v3;
	_ =	sdelay $0x1  }
0xda: {  	s18 =	simm.s32 $0x10680  }
0xdb: {  	[tilespmem:s18], [sflag:$0x4] =	stream.indirect_vreg.gather [hbm4b:s1+s3], $0x80, v4, vm0, $0xb8;
	[tilespmem:$0x19680] =	vst v63  }
0xdc: {  	s19 =	simm.s32 $0x10E80  }
0xdd: {  	[tilespmem:s19], [sflag:$0x4] =	stream.indirect_vreg.gather [hbm4b:s1+s3], $0x80, v3, vm0, $0xb8;
	[tilespmem:$0x19680] =	vst v63  }
0xde: {  	v3 =	vld [tilespmem:$0x110];
	_ =	sdelay $0x4  }
0xdf: {  	v56 =	vshll.u32 v3, $0x1  }
0xe0: {  	v3 =	vand.u32 $0x7, v3;
	v4 =	vand.u32 $0xFFFFFFF0, v56  }
0xe1: {  	v3 =	vor.u32 v3, v4  }
0xe2: {  	v4 =	vperm.xlane v3, v0;
	_ =	sdelay $0x1  }
0xe3: {  	v3 =	vperm.xlane v3, v2;
	v4 =	vadd.s32 v1, v4;
	_ =	sdelay $0x1  }
0xe4: {  	v3 =	vadd.s32 v1, v3;
	_ =	sdelay $0x1  }
0xe5: {  	s20 =	simm.s32 $0x11680  }
0xe6: {  	[tilespmem:s20], [sflag:$0x4] =	stream.indirect_vreg.gather [hbm4b:s1+s3], $0x80, v4, vm0, $0xb8;
	[tilespmem:$0x19680] =	vst v63  }
0xe7: {  	s17 =	simm.s32 $0x11E80  }
0xe8: {  	[tilespmem:s17], [sflag:$0x4] =	stream.indirect_vreg.gather [hbm4b:s1+s3], $0x80, v3, vm0, $0xb8;
	[tilespmem:$0x19680] =	vst v63  }
0xe9: {  	v3 =	vld [tilespmem:$0x120];
	_ =	sdelay $0x4  }
0xea: {  	v57 =	vshll.u32 v3, $0x1  }
0xeb: {  	v3 =	vand.u32 $0x7, v3;
	v4 =	vand.u32 $0xFFFFFFF0, v57  }
0xec: {  	v3 =	vor.u32 v3, v4  }
0xed: {  	v4 =	vperm.xlane v3, v0;
	_ =	sdelay $0x1  }
0xee: {  	v3 =	vperm.xlane v3, v2;
	v4 =	vadd.s32 v1, v4;
	_ =	sdelay $0x1  }
0xef: {  	v3 =	vadd.s32 v1, v3;
	_ =	sdelay $0x2  }
0xf0: {  	[tilespmem:s21], [sflag:$0x4] =	stream.indirect_vreg.gather [hbm4b:s1+s3], $0x80, v4, vm0, $0xb8;
	[tilespmem:$0x19680] =	vst v63  }
0xf1: {  	_ = 	snop  }
0xf2: {  	[tilespmem:s22], [sflag:$0x4] =	stream.indirect_vreg.gather [hbm4b:s1+s3], $0x80, v3, vm0, $0xb8;
	[tilespmem:$0x19680] =	vst v63  }
0xf3: {  	v3 =	vld [tilespmem:$0x130];
	_ =	sdelay $0x4  }
0xf4: {  	v58 =	vshll.u32 v3, $0x1  }
0xf5: {  	v3 =	vand.u32 $0x7, v3;
	v4 =	vand.u32 $0xFFFFFFF0, v58  }
0xf6: {  	v3 =	vor.u32 v3, v4  }
0xf7: {  	v4 =	vperm.xlane v3, v0;
	_ =	sdelay $0x1  }
0xf8: {  	v3 =	vperm.xlane v3, v2;
	v4 =	vadd.s32 v1, v4;
	_ =	sdelay $0x1  }
0xf9: {  	v3 =	vadd.s32 v1, v3;
	_ =	sdelay $0x2  }
0xfa: {  	[tilespmem:s23], [sflag:$0x4] =	stream.indirect_vreg.gather [hbm4b:s1+s3], $0x80, v4, vm0, $0xb8;
	[tilespmem:$0x19680] =	vst v63  }
0xfb: {  	_ = 	snop  }
0xfc: {  	[tilespmem:s24], [sflag:$0x4] =	stream.indirect_vreg.gather [hbm4b:s1+s3], $0x80, v3, vm0, $0xb8;
	[tilespmem:$0x19680] =	vst v63  }
0xfd: {  	v3 =	vld [tilespmem:$0x140];
	_ =	sdelay $0x4  }
0xfe: {  	v59 =	vshll.u32 v3, $0x1  }
0xff: {  	v3 =	vand.u32 $0x7, v3;
	v4 =	vand.u32 $0xFFFFFFF0, v59  }
0x100: {  	v3 =	vor.u32 v3, v4  }
0x101: {  	v4 =	vperm.xlane v3, v0;
	_ =	sdelay $0x1  }
0x102: {  	v3 =	vperm.xlane v3, v2;
	v4 =	vadd.s32 v1, v4;
	_ =	sdelay $0x1  }
0x103: {  	v3 =	vadd.s32 v1, v3;
	_ =	sdelay $0x2  }
0x104: {  	[tilespmem:s25], [sflag:$0x5] =	stream.indirect_vreg.gather [hbm4b:s1+s3], $0x80, v4, vm0, $0xb8;
	[tilespmem:$0x19680] =	vst v63  }
0x105: {  	_ = 	snop  }
0x106: {  	[tilespmem:s26], [sflag:$0x5] =	stream.indirect_vreg.gather [hbm4b:s1+s3], $0x80, v3, vm0, $0xb8;
	[tilespmem:$0x19680] =	vst v63  }
0x107: {  	v3 =	vld [tilespmem:$0x150];
	_ =	sdelay $0x4  }
0x108: {  	v60 =	vshll.u32 v3, $0x1  }
0x109: {  	v3 =	vand.u32 $0x7, v3;
	v4 =	vand.u32 $0xFFFFFFF0, v60  }
0x10a: {  	v3 =	vor.u32 v3, v4  }
0x10b: {  	v4 =	vperm.xlane v3, v0;
	_ =	sdelay $0x1  }
0x10c: {  	v3 =	vperm.xlane v3, v2;
	v4 =	vadd.s32 v1, v4;
	_ =	sdelay $0x1  }
0x10d: {  	v3 =	vadd.s32 v1, v3;
	_ =	sdelay $0x2  }
0x10e: {  	[tilespmem:s28], [sflag:$0x5] =	stream.indirect_vreg.gather [hbm4b:s1+s3], $0x80, v4, vm0, $0xb8;
	[tilespmem:$0x19680] =	vst v63  }
0x10f: {  	_ = 	snop  }
0x110: {  	[tilespmem:s29], [sflag:$0x5] =	stream.indirect_vreg.gather [hbm4b:s1+s3], $0x80, v3, vm0, $0xb8;
	[tilespmem:$0x19680] =	vst v63  }
0x111: {  	v3 =	vld [tilespmem:$0x160];
	_ =	sdelay $0x4  }
0x112: {  	v61 =	vshll.u32 v3, $0x1  }
0x113: {  	v3 =	vand.u32 $0x7, v3;
	v4 =	vand.u32 $0xFFFFFFF0, v61  }
0x114: {  	v3 =	vor.u32 v3, v4  }
0x115: {  	v4 =	vperm.xlane v3, v0;
	_ =	sdelay $0x1  }
0x116: {  	v3 =	vperm.xlane v3, v2;
	v4 =	vadd.s32 v1, v4;
	_ =	sdelay $0x1  }
0x117: {  	v3 =	vadd.s32 v1, v3;
	_ =	sdelay $0x2  }
0x118: {  	[tilespmem:s30], [sflag:$0x5] =	stream.indirect_vreg.gather [hbm4b:s1+s3], $0x80, v4, vm0, $0xb8;
	[tilespmem:$0x19680] =	vst v63  }
0x119: {  	_ = 	snop  }
0x11a: {  	[tilespmem:s31], [sflag:$0x5] =	stream.indirect_vreg.gather [hbm4b:s1+s3], $0x80, v3, vm0, $0xb8;
	[tilespmem:$0x19680] =	vst v63  }
0x11b: {  	v3 =	vld [tilespmem:$0x170];
	_ =	sdelay $0x4  }
0x11c: {  	v62 =	vshll.u32 v3, $0x1  }
0x11d: {  	v3 =	vand.u32 $0x7, v3;
	v4 =	vand.u32 $0xFFFFFFF0, v62  }
0x11e: {  	v3 =	vor.u32 v3, v4  }
0x11f: {  	v4 =	vperm.xlane v3, v0;
	_ =	sdelay $0x1  }
0x120: {  	v3 =	vperm.xlane v3, v2;
	v4 =	vadd.s32 v1, v4;
	_ =	sdelay $0x1  }
0x121: {  	v3 =	vadd.s32 v1, v3;
	_ =	sdelay $0x2  }
0x122: {  	[tilespmem:s2], [sflag:$0x5] =	stream.indirect_vreg.gather [hbm4b:s1+s3], $0x80, v4, vm0, $0xb8;
	[tilespmem:$0x19680] =	vst v63  }
0x123: {  	_ = 	snop  }
0x124: {  	[tilespmem:s0], [sflag:$0x5] =	stream.indirect_vreg.gather [hbm4b:s1+s3], $0x80, v3, vm0, $0xb8;
	[tilespmem:$0x19680] =	vst v63  }
0x125: {  	v3 =	vld [tilespmem:$0x180];
	_ =	sdelay $0x4  }
0x126: {  	v63 =	vshll.u32 v3, $0x1  }
0x127: {  	v3 =	vand.u32 $0x7, v3;
	v4 =	vand.u32 $0xFFFFFFF0, v63  }
0x128: {  	v3 =	vor.u32 v3, v4  }
0x129: {  	v4 =	vperm.xlane v3, v0;
	_ =	sdelay $0x1  }
0x12a: {  	v3 =	vperm.xlane v3, v2;
	v4 =	vadd.s32 v1, v4;
	_ =	sdelay $0x1  }
0x12b: {  	v3 =	vadd.s32 v1, v3;
	_ =	sdelay $0x2  }
0x12c: {  	[tilespmem:s5], [sflag:$0x5] =	stream.indirect_vreg.gather [hbm4b:s1+s3], $0x80, v4, vm0, $0xb8;
	[tilespmem:$0x19680] =	vst v63  }
0x12d: {  	_ = 	snop  }
0x12e: {  	[tilespmem:s6], [sflag:$0x5] =	stream.indirect_vreg.gather [hbm4b:s1+s3], $0x80, v3, vm0, $0xb8;
	[tilespmem:$0x19680] =	vst v63  }
0x12f: {  	s18 =	rddreg [dreg:$0x5];
	s17 =	simm.s32 $0x190  }
0x130: {  	[tilespmem:s17], [sflag:$0xB] =	stream.linear.gather [hbm4b:s18+s3], $0x460, $0x38;
	[tilespmem:$0x19680] =	vst v63  }
0x131: {  	_ =	swait.ge [sflag:s16], $0x460  }
0x132: {  	[sflag:s16] =	ssyncset.done $0x0  }
0x133: {  	s20 =	simm.s32 $0x5F0;
	s19 =	rddreg [dreg:$0x6];
	[sflag:s16] =	ssyncadd.s32 $0xFFFFFBA0  }
0x134: {  	[tilespmem:s20], [sflag:$0xB] =	stream.linear.gather [hbm4b:s19+s3], $0x50, $0x38;
	[tilespmem:$0x19680] =	vst v63  }
0x135: {  	_ =	swait.ge [sflag:s16], $0x50  }
0x136: {  	s15 =	simm.s32 $0x310;
	[sflag:s16] =	ssyncset.done $0x0  }
0x137: {  	s17 =	simm.s32 $0x0;
	[sflag:s16] =	ssyncadd.s32 $0xFFFFFFB0;
	s16 =	simm.s32 $0x4  }
.LBB2_2:
0x138: {  	_ =	swait.ge [sflag:s7], $0x5000  }
0x139: {  	[sflag:s7] =	ssyncset.done $0x0  }
0x13a: {  	s18 =	sadd.s32 s17, s9;
	s20 =	sadd.s32 $0xFFFFFFFD, s16;
	[sflag:s7] =	ssyncadd.s32 $0xFFFFB000  }
0x13b: {  	[hbm4b:s18+s3] =	stream.linear.scatter [tilespmem:s11], [sflag:$0x6], $0x5000, $0x38;
	[tilespmem:$0x19680] =	vst v63  }
0x13c: {  	p4 =	sge.u32 s20, s4;
	_ =	swait.ge [sflag:s8], $0x5000  }
0x13d: {  	s19 =	simm.s32 @!p4 $0x0;
	s18 =	sadd.s32 @!p4 s17, s9;
	[sflag:s8] =	ssyncset.done $0x0  }
0x13e: {  	s20 =	simm.s32 @!p4 $0x5680;
	s18 =	sadd.s32 @!p4 $0xA00, s18;
	[sflag:s8] =	ssyncadd.s32 $0xFFFFB000  }
0x13f: {  	[hbm4b:s18+s19] =	stream.linear.scatter @!p4 [tilespmem:s20], [sflag:$0x7], $0x5000, $0x38;
	[tilespmem:$0x19680] =	vst v63  }
0x140: {  	s19 =	sadd.s32 $0xFFFFFFFE, s16  }
0x141: {  	_ =	swait.ge [sflag:s10], $0x5000;
	p3 =	sge.u32 s19, s4  }
0x142: {  	[sflag:s10] =	ssyncset.done $0x0;
	s18 =	sadd.s32 @!p3 s17, s9;
	s19 =	simm.s32 @!p3 $0x0  }
0x143: {  	s20 =	simm.s32 @!p3 $0xA680;
	[sflag:s10] =	ssyncadd.s32 $0xFFFFB000;
	s18 =	sadd.s32 @!p3 $0x1400, s18  }
0x144: {  	[hbm4b:s18+s19] =	stream.linear.scatter @!p3 [tilespmem:s20], [sflag:$0x8], $0x5000, $0x38;
	[tilespmem:$0x19680] =	vst v63  }
0x145: {  	s20 =	sadd.s32 $0xFFFFFFFF, s16  }
0x146: {  	p0 =	sge.u32 s16, s4;
	_ =	swait.ge [sflag:s12], $0x5000;
	p2 =	sge.u32 s20, s4  }
0x147: {  	[sflag:s12] =	ssyncset.done $0x0;
	s18 =	sadd.s32 @!p2 s17, s9;
	s19 =	simm.s32 @!p2 $0x0  }
0x148: {  	s20 =	simm.s32 @!p2 $0xF680;
	[sflag:s12] =	ssyncadd.s32 $0xFFFFB000;
	s18 =	sadd.s32 @!p2 $0x1E00, s18  }
0x149: {  	[hbm4b:s18+s19] =	stream.linear.scatter @!p2 [tilespmem:s20], [sflag:$0x9], $0x5000, $0x38;
	[tilespmem:$0x19680] =	vst v63  }
0x14a: {  	p1 =	seq.s32 s17, $0x9600;
	s18 =	sadd.s32 @!p0 s17, s9;
	_ =	swait.ge [sflag:s13], $0x5000  }
0x14b: {  	s19 =	simm.s32 @!p0 $0x0;
	s20 =	simm.s32 @!p0 $0x14680;
	[sflag:s13] =	ssyncset.done $0x0  }
.Ltmp2:
0x14c: {  	s18 =	sadd.s32 @!p0 $0x2800, s18;
	[sflag:s13] =	ssyncadd.s32 $0xFFFFB000;
	(pc) =	sbr.rel @p1 .LBB2_4-.Ltmp2, $4  }
0x14d: {  	[hbm4b:s18+s19] =	stream.linear.scatter @!p0 [tilespmem:s20], [sflag:$0xA], $0x5000, $0x38;
	[tilespmem:$0x19680] =	vst v63  }
0x14e: {  	_ =	swait.ge [sflag:s14], $0x5000  }
0x14f: {  	[sflag:s14] =	ssyncset.done $0x0  }
0x150: {  	[sflag:s14] =	ssyncadd.s32 $0xFFFFB000  }
0x151: {  	v3 =	vld [tilespmem:s15+$0xFFFFFE80];
	_ =	sdelay $0x4  }
0x152: {  	v4 =	vshll.u32 v3, $0x1  }
0x153: {  	v3 =	vand.u32 $0x7, v3;
	v4 =	vand.u32 $0xFFFFFFF0, v4  }
0x154: {  	v3 =	vor.u32 v3, v4  }
0x155: {  	v4 =	vperm.xlane v3, v0;
	_ =	sdelay $0x1  }
0x156: {  	v3 =	vperm.xlane v3, v2;
	v4 =	vadd.s32 v1, v4;
	_ =	sdelay $0x1  }
0x157: {  	v3 =	vadd.s32 v1, v3;
	_ =	sdelay $0x2  }
0x158: {  	[tilespmem:s11], [sflag:$0x1] =	stream.indirect_vreg.gather [hbm4b:s1+s3], $0x80, v4, vm0, $0xb8;
	[tilespmem:$0x19680] =	vst v63  }
0x159: {  	s18 =	simm.s32 $0xE80  }
0x15a: {  	[tilespmem:s18], [sflag:$0x1] =	stream.indirect_vreg.gather [hbm4b:s1+s3], $0x80, v3, vm0, $0xb8;
	[tilespmem:$0x19680] =	vst v63  }
0x15b: {  	v3 =	vld [tilespmem:s15+$0xFFFFFE90];
	_ =	sdelay $0x4  }
0x15c: {  	v60 =	vshll.u32 v3, $0x1  }
0x15d: {  	v3 =	vand.u32 $0x7, v3;
	v4 =	vand.u32 $0xFFFFFFF0, v60  }
0x15e: {  	v3 =	vor.u32 v3, v4  }
0x15f: {  	v4 =	vperm.xlane v3, v0;
	_ =	sdelay $0x1  }
0x160: {  	v3 =	vperm.xlane v3, v2;
	v4 =	vadd.s32 v1, v4;
	_ =	sdelay $0x1  }
0x161: {  	v3 =	vadd.s32 v1, v3;
	_ =	sdelay $0x1  }
0x162: {  	s19 =	simm.s32 $0x1680  }
0x163: {  	[tilespmem:s19], [sflag:$0x1] =	stream.indirect_vreg.gather [hbm4b:s1+s3], $0x80, v4, vm0, $0xb8;
	[tilespmem:$0x19680] =	vst v63  }
0x164: {  	s20 =	simm.s32 $0x1E80  }
0x165: {  	[tilespmem:s20], [sflag:$0x1] =	stream.indirect_vreg.gather [hbm4b:s1+s3], $0x80, v3, vm0, $0xb8;
	[tilespmem:$0x19680] =	vst v63  }
0x166: {  	v3 =	vld [tilespmem:s15+$0xFFFFFEA0];
	_ =	sdelay $0x4  }
0x167: {  	v61 =	vshll.u32 v3, $0x1  }
0x168: {  	v3 =	vand.u32 $0x7, v3;
	v4 =	vand.u32 $0xFFFFFFF0, v61  }
0x169: {  	v3 =	vor.u32 v3, v4  }
0x16a: {  	v4 =	vperm.xlane v3, v0;
	_ =	sdelay $0x1  }
0x16b: {  	v3 =	vperm.xlane v3, v2;
	v4 =	vadd.s32 v1, v4;
	_ =	sdelay $0x1  }
0x16c: {  	v3 =	vadd.s32 v1, v3;
	_ =	sdelay $0x1  }
0x16d: {  	s19 =	simm.s32 $0x2680  }
0x16e: {  	[tilespmem:s19], [sflag:$0x1] =	stream.indirect_vreg.gather [hbm4b:s1+s3], $0x80, v4, vm0, $0xb8;
	[tilespmem:$0x19680] =	vst v63  }
0x16f: {  	s20 =	simm.s32 $0x2E80  }
0x170: {  	[tilespmem:s20], [sflag:$0x1] =	stream.indirect_vreg.gather [hbm4b:s1+s3], $0x80, v3, vm0, $0xb8;
	[tilespmem:$0x19680] =	vst v63  }
0x171: {  	v3 =	vld [tilespmem:s15+$0xFFFFFEB0];
	_ =	sdelay $0x4  }
0x172: {  	v62 =	vshll.u32 v3, $0x1  }
0x173: {  	v3 =	vand.u32 $0x7, v3;
	v4 =	vand.u32 $0xFFFFFFF0, v62  }
0x174: {  	v3 =	vor.u32 v3, v4  }
0x175: {  	v4 =	vperm.xlane v3, v0;
	_ =	sdelay $0x1  }
0x176: {  	v3 =	vperm.xlane v3, v2;
	v4 =	vadd.s32 v1, v4;
	_ =	sdelay $0x1  }
0x177: {  	v3 =	vadd.s32 v1, v3;
	_ =	sdelay $0x1  }
0x178: {  	s19 =	simm.s32 $0x3680  }
0x179: {  	[tilespmem:s19], [sflag:$0x1] =	stream.indirect_vreg.gather [hbm4b:s1+s3], $0x80, v4, vm0, $0xb8;
	[tilespmem:$0x19680] =	vst v63  }
0x17a: {  	s20 =	simm.s32 $0x3E80  }
0x17b: {  	[tilespmem:s20], [sflag:$0x1] =	stream.indirect_vreg.gather [hbm4b:s1+s3], $0x80, v3, vm0, $0xb8;
	[tilespmem:$0x19680] =	vst v63  }
0x17c: {  	v3 =	vld [tilespmem:s15+$0xFFFFFEC0];
	_ =	sdelay $0x4  }
0x17d: {  	v63 =	vshll.u32 v3, $0x1  }
0x17e: {  	v3 =	vand.u32 $0x7, v3;
	v4 =	vand.u32 $0xFFFFFFF0, v63  }
0x17f: {  	v3 =	vor.u32 v3, v4  }
0x180: {  	v4 =	vperm.xlane v3, v0;
	_ =	sdelay $0x1  }
0x181: {  	v3 =	vperm.xlane v3, v2;
	v4 =	vadd.s32 v1, v4;
	_ =	sdelay $0x1  }
0x182: {  	v3 =	vadd.s32 v1, v3;
	_ =	sdelay $0x1  }
0x183: {  	s19 =	simm.s32 $0x4680  }
0x184: {  	[tilespmem:s19], [sflag:$0x1] =	stream.indirect_vreg.gather [hbm4b:s1+s3], $0x80, v4, vm0, $0xb8;
	[tilespmem:$0x19680] =	vst v63  }
0x185: {  	s20 =	simm.s32 $0x4E80  }
0x186: {  	[tilespmem:s20], [sflag:$0x1] =	stream.indirect_vreg.gather [hbm4b:s1+s3], $0x80, v3, vm0, $0xb8;
	[tilespmem:$0x19680] =	vst v63  }
.LBB2_4:
.Ltmp3:
0x187: {  	(pc) =	sbr.rel @p1 .LBB2_6-.Ltmp3, $4  }
0x188: {  	s18 =	simm.s32 @!p4 $0x7  }
0x189: {  	_ =	swait.ge @!p4 [sflag:s18], $0x5000  }
0x18a: {  	[sflag:s18] =	ssyncset.done @!p4 $0x0  }
0x18b: {  	[sflag:s18] =	ssyncadd.s32 @!p4 $0xFFFFB000  }
0x18c: {  	v3 =	vld [tilespmem:s15+$0xFFFFFED0];
	_ =	sdelay $0x4  }
0x18d: {  	v4 =	vshll.u32 v3, $0x1  }
0x18e: {  	v3 =	vand.u32 $0x7, v3;
	v4 =	vand.u32 $0xFFFFFFF0, v4  }
0x18f: {  	v3 =	vor.u32 v3, v4  }
0x190: {  	v4 =	vperm.xlane v3, v0;
	_ =	sdelay $0x1  }
0x191: {  	v3 =	vperm.xlane v3, v2;
	v4 =	vadd.s32 v1, v4;
	_ =	sdelay $0x1  }
0x192: {  	v3 =	vadd.s32 v1, v3;
	_ =	sdelay $0x1  }
0x193: {  	s18 =	simm.s32 $0x5680  }
0x194: {  	[tilespmem:s18], [sflag:$0x2] =	stream.indirect_vreg.gather [hbm4b:s1+s3], $0x80, v4, vm0, $0xb8;
	[tilespmem:$0x19680] =	vst v63  }
0x195: {  	s20 =	simm.s32 $0x5E80  }
0x196: {  	[tilespmem:s20], [sflag:$0x2] =	stream.indirect_vreg.gather [hbm4b:s1+s3], $0x80, v3, vm0, $0xb8;
	[tilespmem:$0x19680] =	vst v63  }
0x197: {  	v3 =	vld [tilespmem:s15+$0xFFFFFEE0];
	_ =	sdelay $0x4  }
0x198: {  	v60 =	vshll.u32 v3, $0x1  }
0x199: {  	v3 =	vand.u32 $0x7, v3;
	v4 =	vand.u32 $0xFFFFFFF0, v60  }
0x19a: {  	v3 =	vor.u32 v3, v4  }
0x19b: {  	v4 =	vperm.xlane v3, v0;
	_ =	sdelay $0x1  }
0x19c: {  	v3 =	vperm.xlane v3, v2;
	v4 =	vadd.s32 v1, v4;
	_ =	sdelay $0x1  }
0x19d: {  	v3 =	vadd.s32 v1, v3;
	_ =	sdelay $0x1  }
0x19e: {  	s19 =	simm.s32 $0x6680  }
0x19f: {  	[tilespmem:s19], [sflag:$0x2] =	stream.indirect_vreg.gather [hbm4b:s1+s3], $0x80, v4, vm0, $0xb8;
	[tilespmem:$0x19680] =	vst v63  }
0x1a0: {  	s20 =	simm.s32 $0x6E80  }
0x1a1: {  	[tilespmem:s20], [sflag:$0x2] =	stream.indirect_vreg.gather [hbm4b:s1+s3], $0x80, v3, vm0, $0xb8;
	[tilespmem:$0x19680] =	vst v63  }
0x1a2: {  	v3 =	vld [tilespmem:s15+$0xFFFFFEF0];
	_ =	sdelay $0x4  }
0x1a3: {  	v61 =	vshll.u32 v3, $0x1  }
0x1a4: {  	v3 =	vand.u32 $0x7, v3;
	v4 =	vand.u32 $0xFFFFFFF0, v61  }
0x1a5: {  	v3 =	vor.u32 v3, v4  }
0x1a6: {  	v4 =	vperm.xlane v3, v0;
	_ =	sdelay $0x1  }
0x1a7: {  	v3 =	vperm.xlane v3, v2;
	v4 =	vadd.s32 v1, v4;
	_ =	sdelay $0x1  }
0x1a8: {  	v3 =	vadd.s32 v1, v3;
	_ =	sdelay $0x1  }
0x1a9: {  	s19 =	simm.s32 $0x7680  }
0x1aa: {  	[tilespmem:s19], [sflag:$0x2] =	stream.indirect_vreg.gather [hbm4b:s1+s3], $0x80, v4, vm0, $0xb8;
	[tilespmem:$0x19680] =	vst v63  }
0x1ab: {  	s20 =	simm.s32 $0x7E80  }
0x1ac: {  	[tilespmem:s20], [sflag:$0x2] =	stream.indirect_vreg.gather [hbm4b:s1+s3], $0x80, v3, vm0, $0xb8;
	[tilespmem:$0x19680] =	vst v63  }
0x1ad: {  	v3 =	vld [tilespmem:s15+$0xFFFFFF00];
	_ =	sdelay $0x4  }
0x1ae: {  	v62 =	vshll.u32 v3, $0x1  }
0x1af: {  	v3 =	vand.u32 $0x7, v3;
	v4 =	vand.u32 $0xFFFFFFF0, v62  }
0x1b0: {  	v3 =	vor.u32 v3, v4  }
0x1b1: {  	v4 =	vperm.xlane v3, v0;
	_ =	sdelay $0x1  }
0x1b2: {  	v3 =	vperm.xlane v3, v2;
	v4 =	vadd.s32 v1, v4;
	_ =	sdelay $0x1  }
0x1b3: {  	v3 =	vadd.s32 v1, v3;
	_ =	sdelay $0x1  }
0x1b4: {  	s19 =	simm.s32 $0x8680  }
0x1b5: {  	[tilespmem:s19], [sflag:$0x2] =	stream.indirect_vreg.gather [hbm4b:s1+s3], $0x80, v4, vm0, $0xb8;
	[tilespmem:$0x19680] =	vst v63  }
0x1b6: {  	s20 =	simm.s32 $0x8E80  }
0x1b7: {  	[tilespmem:s20], [sflag:$0x2] =	stream.indirect_vreg.gather [hbm4b:s1+s3], $0x80, v3, vm0, $0xb8;
	[tilespmem:$0x19680] =	vst v63  }
0x1b8: {  	v3 =	vld [tilespmem:s15+$0xFFFFFF10];
	_ =	sdelay $0x4  }
0x1b9: {  	v63 =	vshll.u32 v3, $0x1  }
0x1ba: {  	v3 =	vand.u32 $0x7, v3;
	v4 =	vand.u32 $0xFFFFFFF0, v63  }
0x1bb: {  	v3 =	vor.u32 v3, v4  }
0x1bc: {  	v4 =	vperm.xlane v3, v0;
	_ =	sdelay $0x1  }
0x1bd: {  	v3 =	vperm.xlane v3, v2;
	v4 =	vadd.s32 v1, v4;
	_ =	sdelay $0x1  }
0x1be: {  	v3 =	vadd.s32 v1, v3;
	_ =	sdelay $0x1  }
0x1bf: {  	s19 =	simm.s32 $0x9680  }
0x1c0: {  	[tilespmem:s19], [sflag:$0x2] =	stream.indirect_vreg.gather [hbm4b:s1+s3], $0x80, v4, vm0, $0xb8;
	[tilespmem:$0x19680] =	vst v63  }
0x1c1: {  	s20 =	simm.s32 $0x9E80  }
0x1c2: {  	[tilespmem:s20], [sflag:$0x2] =	stream.indirect_vreg.gather [hbm4b:s1+s3], $0x80, v3, vm0, $0xb8;
	[tilespmem:$0x19680] =	vst v63  }
.LBB2_6:
.Ltmp4:
0x1c3: {  	(pc) =	sbr.rel @p1 .LBB2_8-.Ltmp4, $4  }
0x1c4: {  	s18 =	simm.s32 @!p3 $0x8  }
0x1c5: {  	_ =	swait.ge @!p3 [sflag:s18], $0x5000  }
0x1c6: {  	[sflag:s18] =	ssyncset.done @!p3 $0x0  }
0x1c7: {  	[sflag:s18] =	ssyncadd.s32 @!p3 $0xFFFFB000  }
0x1c8: {  	v3 =	vld [tilespmem:s15+$0xFFFFFF20];
	_ =	sdelay $0x4  }
0x1c9: {  	v4 =	vshll.u32 v3, $0x1  }
0x1ca: {  	v3 =	vand.u32 $0x7, v3;
	v4 =	vand.u32 $0xFFFFFFF0, v4  }
0x1cb: {  	v3 =	vor.u32 v3, v4  }
0x1cc: {  	v4 =	vperm.xlane v3, v0;
	_ =	sdelay $0x1  }
0x1cd: {  	v3 =	vperm.xlane v3, v2;
	v4 =	vadd.s32 v1, v4;
	_ =	sdelay $0x1  }
0x1ce: {  	v3 =	vadd.s32 v1, v3;
	_ =	sdelay $0x1  }
0x1cf: {  	s18 =	simm.s32 $0xA680  }
0x1d0: {  	[tilespmem:s18], [sflag:$0x3] =	stream.indirect_vreg.gather [hbm4b:s1+s3], $0x80, v4, vm0, $0xb8;
	[tilespmem:$0x19680] =	vst v63  }
0x1d1: {  	s20 =	simm.s32 $0xAE80  }
0x1d2: {  	[tilespmem:s20], [sflag:$0x3] =	stream.indirect_vreg.gather [hbm4b:s1+s3], $0x80, v3, vm0, $0xb8;
	[tilespmem:$0x19680] =	vst v63  }
0x1d3: {  	v3 =	vld [tilespmem:s15+$0xFFFFFF30];
	_ =	sdelay $0x4  }
0x1d4: {  	v60 =	vshll.u32 v3, $0x1  }
0x1d5: {  	v3 =	vand.u32 $0x7, v3;
	v4 =	vand.u32 $0xFFFFFFF0, v60  }
0x1d6: {  	v3 =	vor.u32 v3, v4  }
0x1d7: {  	v4 =	vperm.xlane v3, v0;
	_ =	sdelay $0x1  }
0x1d8: {  	v3 =	vperm.xlane v3, v2;
	v4 =	vadd.s32 v1, v4;
	_ =	sdelay $0x1  }
0x1d9: {  	v3 =	vadd.s32 v1, v3;
	_ =	sdelay $0x1  }
0x1da: {  	s19 =	simm.s32 $0xB680  }
0x1db: {  	[tilespmem:s19], [sflag:$0x3] =	stream.indirect_vreg.gather [hbm4b:s1+s3], $0x80, v4, vm0, $0xb8;
	[tilespmem:$0x19680] =	vst v63  }
0x1dc: {  	s20 =	simm.s32 $0xBE80  }
0x1dd: {  	[tilespmem:s20], [sflag:$0x3] =	stream.indirect_vreg.gather [hbm4b:s1+s3], $0x80, v3, vm0, $0xb8;
	[tilespmem:$0x19680] =	vst v63  }
0x1de: {  	v3 =	vld [tilespmem:s15+$0xFFFFFF40];
	_ =	sdelay $0x4  }
0x1df: {  	v61 =	vshll.u32 v3, $0x1  }
0x1e0: {  	v3 =	vand.u32 $0x7, v3;
	v4 =	vand.u32 $0xFFFFFFF0, v61  }
0x1e1: {  	v3 =	vor.u32 v3, v4  }
0x1e2: {  	v4 =	vperm.xlane v3, v0;
	_ =	sdelay $0x1  }
0x1e3: {  	v3 =	vperm.xlane v3, v2;
	v4 =	vadd.s32 v1, v4;
	_ =	sdelay $0x1  }
0x1e4: {  	v3 =	vadd.s32 v1, v3;
	_ =	sdelay $0x1  }
0x1e5: {  	s19 =	simm.s32 $0xC680  }
0x1e6: {  	[tilespmem:s19], [sflag:$0x3] =	stream.indirect_vreg.gather [hbm4b:s1+s3], $0x80, v4, vm0, $0xb8;
	[tilespmem:$0x19680] =	vst v63  }
0x1e7: {  	s20 =	simm.s32 $0xCE80  }
0x1e8: {  	[tilespmem:s20], [sflag:$0x3] =	stream.indirect_vreg.gather [hbm4b:s1+s3], $0x80, v3, vm0, $0xb8;
	[tilespmem:$0x19680] =	vst v63  }
0x1e9: {  	v3 =	vld [tilespmem:s15+$0xFFFFFF50];
	_ =	sdelay $0x4  }
0x1ea: {  	v62 =	vshll.u32 v3, $0x1  }
0x1eb: {  	v3 =	vand.u32 $0x7, v3;
	v4 =	vand.u32 $0xFFFFFFF0, v62  }
0x1ec: {  	v3 =	vor.u32 v3, v4  }
0x1ed: {  	v4 =	vperm.xlane v3, v0;
	_ =	sdelay $0x1  }
0x1ee: {  	v3 =	vperm.xlane v3, v2;
	v4 =	vadd.s32 v1, v4;
	_ =	sdelay $0x1  }
0x1ef: {  	v3 =	vadd.s32 v1, v3;
	_ =	sdelay $0x1  }
0x1f0: {  	s19 =	simm.s32 $0xD680  }
0x1f1: {  	[tilespmem:s19], [sflag:$0x3] =	stream.indirect_vreg.gather [hbm4b:s1+s3], $0x80, v4, vm0, $0xb8;
	[tilespmem:$0x19680] =	vst v63  }
0x1f2: {  	s20 =	simm.s32 $0xDE80  }
0x1f3: {  	[tilespmem:s20], [sflag:$0x3] =	stream.indirect_vreg.gather [hbm4b:s1+s3], $0x80, v3, vm0, $0xb8;
	[tilespmem:$0x19680] =	vst v63  }
0x1f4: {  	v3 =	vld [tilespmem:s15+$0xFFFFFF60];
	_ =	sdelay $0x4  }
0x1f5: {  	v63 =	vshll.u32 v3, $0x1  }
0x1f6: {  	v3 =	vand.u32 $0x7, v3;
	v4 =	vand.u32 $0xFFFFFFF0, v63  }
0x1f7: {  	v3 =	vor.u32 v3, v4  }
0x1f8: {  	v4 =	vperm.xlane v3, v0;
	_ =	sdelay $0x1  }
0x1f9: {  	v3 =	vperm.xlane v3, v2;
	v4 =	vadd.s32 v1, v4;
	_ =	sdelay $0x1  }
0x1fa: {  	v3 =	vadd.s32 v1, v3;
	_ =	sdelay $0x1  }
0x1fb: {  	s19 =	simm.s32 $0xE680  }
0x1fc: {  	[tilespmem:s19], [sflag:$0x3] =	stream.indirect_vreg.gather [hbm4b:s1+s3], $0x80, v4, vm0, $0xb8;
	[tilespmem:$0x19680] =	vst v63  }
0x1fd: {  	s20 =	simm.s32 $0xEE80  }
0x1fe: {  	[tilespmem:s20], [sflag:$0x3] =	stream.indirect_vreg.gather [hbm4b:s1+s3], $0x80, v3, vm0, $0xb8;
	[tilespmem:$0x19680] =	vst v63  }
.LBB2_8:
.Ltmp5:
0x1ff: {  	(pc) =	sbr.rel @p1 .LBB2_10-.Ltmp5, $4  }
0x200: {  	s18 =	simm.s32 @!p2 $0x9  }
0x201: {  	_ =	swait.ge @!p2 [sflag:s18], $0x5000  }
0x202: {  	[sflag:s18] =	ssyncset.done @!p2 $0x0  }
0x203: {  	[sflag:s18] =	ssyncadd.s32 @!p2 $0xFFFFB000  }
0x204: {  	v3 =	vld [tilespmem:s15+$0xFFFFFF70];
	_ =	sdelay $0x4  }
0x205: {  	v4 =	vshll.u32 v3, $0x1  }
0x206: {  	v3 =	vand.u32 $0x7, v3;
	v4 =	vand.u32 $0xFFFFFFF0, v4  }
0x207: {  	v3 =	vor.u32 v3, v4  }
0x208: {  	v4 =	vperm.xlane v3, v0;
	_ =	sdelay $0x1  }
0x209: {  	v3 =	vperm.xlane v3, v2;
	v4 =	vadd.s32 v1, v4;
	_ =	sdelay $0x1  }
0x20a: {  	v3 =	vadd.s32 v1, v3;
	_ =	sdelay $0x1  }
0x20b: {  	s18 =	simm.s32 $0xF680  }
0x20c: {  	[tilespmem:s18], [sflag:$0x4] =	stream.indirect_vreg.gather [hbm4b:s1+s3], $0x80, v4, vm0, $0xb8;
	[tilespmem:$0x19680] =	vst v63  }
0x20d: {  	s20 =	simm.s32 $0xFE80  }
0x20e: {  	[tilespmem:s20], [sflag:$0x4] =	stream.indirect_vreg.gather [hbm4b:s1+s3], $0x80, v3, vm0, $0xb8;
	[tilespmem:$0x19680] =	vst v63  }
0x20f: {  	v3 =	vld [tilespmem:s15+$0xFFFFFF80];
	_ =	sdelay $0x4  }
0x210: {  	v60 =	vshll.u32 v3, $0x1  }
0x211: {  	v3 =	vand.u32 $0x7, v3;
	v4 =	vand.u32 $0xFFFFFFF0, v60  }
0x212: {  	v3 =	vor.u32 v3, v4  }
0x213: {  	v4 =	vperm.xlane v3, v0;
	_ =	sdelay $0x1  }
0x214: {  	v3 =	vperm.xlane v3, v2;
	v4 =	vadd.s32 v1, v4;
	_ =	sdelay $0x1  }
0x215: {  	v3 =	vadd.s32 v1, v3;
	_ =	sdelay $0x1  }
0x216: {  	s19 =	simm.s32 $0x10680  }
0x217: {  	[tilespmem:s19], [sflag:$0x4] =	stream.indirect_vreg.gather [hbm4b:s1+s3], $0x80, v4, vm0, $0xb8;
	[tilespmem:$0x19680] =	vst v63  }
0x218: {  	s20 =	simm.s32 $0x10E80  }
0x219: {  	[tilespmem:s20], [sflag:$0x4] =	stream.indirect_vreg.gather [hbm4b:s1+s3], $0x80, v3, vm0, $0xb8;
	[tilespmem:$0x19680] =	vst v63  }
0x21a: {  	v3 =	vld [tilespmem:s15+$0xFFFFFF90];
	_ =	sdelay $0x4  }
0x21b: {  	v61 =	vshll.u32 v3, $0x1  }
0x21c: {  	v3 =	vand.u32 $0x7, v3;
	v4 =	vand.u32 $0xFFFFFFF0, v61  }
0x21d: {  	v3 =	vor.u32 v3, v4  }
0x21e: {  	v4 =	vperm.xlane v3, v0;
	_ =	sdelay $0x1  }
0x21f: {  	v3 =	vperm.xlane v3, v2;
	v4 =	vadd.s32 v1, v4;
	_ =	sdelay $0x1  }
0x220: {  	v3 =	vadd.s32 v1, v3;
	_ =	sdelay $0x1  }
0x221: {  	s19 =	simm.s32 $0x11680  }
0x222: {  	[tilespmem:s19], [sflag:$0x4] =	stream.indirect_vreg.gather [hbm4b:s1+s3], $0x80, v4, vm0, $0xb8;
	[tilespmem:$0x19680] =	vst v63  }
0x223: {  	s20 =	simm.s32 $0x11E80  }
0x224: {  	[tilespmem:s20], [sflag:$0x4] =	stream.indirect_vreg.gather [hbm4b:s1+s3], $0x80, v3, vm0, $0xb8;
	[tilespmem:$0x19680] =	vst v63  }
0x225: {  	v3 =	vld [tilespmem:s15+$0xFFFFFFA0];
	_ =	sdelay $0x4  }
0x226: {  	v62 =	vshll.u32 v3, $0x1  }
0x227: {  	v3 =	vand.u32 $0x7, v3;
	v4 =	vand.u32 $0xFFFFFFF0, v62  }
0x228: {  	v3 =	vor.u32 v3, v4  }
0x229: {  	v4 =	vperm.xlane v3, v0;
	_ =	sdelay $0x1  }
0x22a: {  	v3 =	vperm.xlane v3, v2;
	v4 =	vadd.s32 v1, v4;
	_ =	sdelay $0x1  }
0x22b: {  	v3 =	vadd.s32 v1, v3;
	_ =	sdelay $0x2  }
0x22c: {  	[tilespmem:s21], [sflag:$0x4] =	stream.indirect_vreg.gather [hbm4b:s1+s3], $0x80, v4, vm0, $0xb8;
	[tilespmem:$0x19680] =	vst v63  }
0x22d: {  	_ = 	snop  }
0x22e: {  	[tilespmem:s22], [sflag:$0x4] =	stream.indirect_vreg.gather [hbm4b:s1+s3], $0x80, v3, vm0, $0xb8;
	[tilespmem:$0x19680] =	vst v63  }
0x22f: {  	v3 =	vld [tilespmem:s15+$0xFFFFFFB0];
	_ =	sdelay $0x4  }
0x230: {  	v63 =	vshll.u32 v3, $0x1  }
0x231: {  	v3 =	vand.u32 $0x7, v3;
	v4 =	vand.u32 $0xFFFFFFF0, v63  }
0x232: {  	v3 =	vor.u32 v3, v4  }
0x233: {  	v4 =	vperm.xlane v3, v0;
	_ =	sdelay $0x1  }
0x234: {  	v3 =	vperm.xlane v3, v2;
	v4 =	vadd.s32 v1, v4;
	_ =	sdelay $0x1  }
0x235: {  	v3 =	vadd.s32 v1, v3;
	_ =	sdelay $0x2  }
0x236: {  	[tilespmem:s23], [sflag:$0x4] =	stream.indirect_vreg.gather [hbm4b:s1+s3], $0x80, v4, vm0, $0xb8;
	[tilespmem:$0x19680] =	vst v63  }
0x237: {  	_ = 	snop  }
0x238: {  	[tilespmem:s24], [sflag:$0x4] =	stream.indirect_vreg.gather [hbm4b:s1+s3], $0x80, v3, vm0, $0xb8;
	[tilespmem:$0x19680] =	vst v63  }
.LBB2_10:
.Ltmp6:
0x239: {  	(pc) =	sbr.rel @p1 .LBB2_12-.Ltmp6, $4  }
0x23a: {  	s18 =	simm.s32 @!p0 $0xA  }
0x23b: {  	_ =	swait.ge @!p0 [sflag:s18], $0x5000  }
0x23c: {  	[sflag:s18] =	ssyncset.done @!p0 $0x0  }
0x23d: {  	[sflag:s18] =	ssyncadd.s32 @!p0 $0xFFFFB000  }
0x23e: {  	v3 =	vld [tilespmem:s15+$0xFFFFFFC0];
	_ =	sdelay $0x4  }
0x23f: {  	v4 =	vshll.u32 v3, $0x1  }
0x240: {  	v3 =	vand.u32 $0x7, v3;
	v4 =	vand.u32 $0xFFFFFFF0, v4  }
0x241: {  	v3 =	vor.u32 v3, v4  }
0x242: {  	v4 =	vperm.xlane v3, v0;
	_ =	sdelay $0x1  }
0x243: {  	v3 =	vperm.xlane v3, v2;
	v4 =	vadd.s32 v1, v4;
	_ =	sdelay $0x1  }
0x244: {  	v3 =	vadd.s32 v1, v3;
	_ =	sdelay $0x2  }
0x245: {  	[tilespmem:s25], [sflag:$0x5] =	stream.indirect_vreg.gather [hbm4b:s1+s3], $0x80, v4, vm0, $0xb8;
	[tilespmem:$0x19680] =	vst v63  }
0x246: {  	_ = 	snop  }
0x247: {  	[tilespmem:s26], [sflag:$0x5] =	stream.indirect_vreg.gather [hbm4b:s1+s3], $0x80, v3, vm0, $0xb8;
	[tilespmem:$0x19680] =	vst v63  }
0x248: {  	v3 =	vld [tilespmem:s15+$0xFFFFFFD0];
	_ =	sdelay $0x4  }
0x249: {  	v60 =	vshll.u32 v3, $0x1  }
0x24a: {  	v3 =	vand.u32 $0x7, v3;
	v4 =	vand.u32 $0xFFFFFFF0, v60  }
0x24b: {  	v3 =	vor.u32 v3, v4  }
0x24c: {  	v4 =	vperm.xlane v3, v0;
	_ =	sdelay $0x1  }
0x24d: {  	v3 =	vperm.xlane v3, v2;
	v4 =	vadd.s32 v1, v4;
	_ =	sdelay $0x1  }
0x24e: {  	v3 =	vadd.s32 v1, v3;
	_ =	sdelay $0x2  }
0x24f: {  	[tilespmem:s28], [sflag:$0x5] =	stream.indirect_vreg.gather [hbm4b:s1+s3], $0x80, v4, vm0, $0xb8;
	[tilespmem:$0x19680] =	vst v63  }
0x250: {  	_ = 	snop  }
0x251: {  	[tilespmem:s29], [sflag:$0x5] =	stream.indirect_vreg.gather [hbm4b:s1+s3], $0x80, v3, vm0, $0xb8;
	[tilespmem:$0x19680] =	vst v63  }
0x252: {  	v3 =	vld [tilespmem:s15+$0xFFFFFFE0];
	_ =	sdelay $0x4  }
0x253: {  	v61 =	vshll.u32 v3, $0x1  }
0x254: {  	v3 =	vand.u32 $0x7, v3;
	v4 =	vand.u32 $0xFFFFFFF0, v61  }
0x255: {  	v3 =	vor.u32 v3, v4  }
0x256: {  	v4 =	vperm.xlane v3, v0;
	_ =	sdelay $0x1  }
0x257: {  	v3 =	vperm.xlane v3, v2;
	v4 =	vadd.s32 v1, v4;
	_ =	sdelay $0x1  }
0x258: {  	v3 =	vadd.s32 v1, v3;
	_ =	sdelay $0x2  }
0x259: {  	[tilespmem:s30], [sflag:$0x5] =	stream.indirect_vreg.gather [hbm4b:s1+s3], $0x80, v4, vm0, $0xb8;
	[tilespmem:$0x19680] =	vst v63  }
0x25a: {  	_ = 	snop  }
0x25b: {  	[tilespmem:s31], [sflag:$0x5] =	stream.indirect_vreg.gather [hbm4b:s1+s3], $0x80, v3, vm0, $0xb8;
	[tilespmem:$0x19680] =	vst v63  }
0x25c: {  	v3 =	vld [tilespmem:s15+$0xFFFFFFF0];
	_ =	sdelay $0x4  }
0x25d: {  	v62 =	vshll.u32 v3, $0x1  }
0x25e: {  	v3 =	vand.u32 $0x7, v3;
	v4 =	vand.u32 $0xFFFFFFF0, v62  }
0x25f: {  	v3 =	vor.u32 v3, v4  }
0x260: {  	v4 =	vperm.xlane v3, v0;
	_ =	sdelay $0x1  }
0x261: {  	v3 =	vperm.xlane v3, v2;
	v4 =	vadd.s32 v1, v4;
	_ =	sdelay $0x1  }
0x262: {  	v3 =	vadd.s32 v1, v3;
	_ =	sdelay $0x2  }
0x263: {  	[tilespmem:s2], [sflag:$0x5] =	stream.indirect_vreg.gather [hbm4b:s1+s3], $0x80, v4, vm0, $0xb8;
	[tilespmem:$0x19680] =	vst v63  }
0x264: {  	_ = 	snop  }
0x265: {  	[tilespmem:s0], [sflag:$0x5] =	stream.indirect_vreg.gather [hbm4b:s1+s3], $0x80, v3, vm0, $0xb8;
	[tilespmem:$0x19680] =	vst v63  }
0x266: {  	v3 =	vld [tilespmem:s15+$0x0];
	_ =	sdelay $0x4  }
0x267: {  	v63 =	vshll.u32 v3, $0x1  }
0x268: {  	v3 =	vand.u32 $0x7, v3;
	v4 =	vand.u32 $0xFFFFFFF0, v63  }
0x269: {  	v3 =	vor.u32 v3, v4  }
0x26a: {  	v4 =	vperm.xlane v3, v0;
	_ =	sdelay $0x1  }
0x26b: {  	v3 =	vperm.xlane v3, v2;
	v4 =	vadd.s32 v1, v4;
	_ =	sdelay $0x1  }
0x26c: {  	v3 =	vadd.s32 v1, v3  }
.Ltmp7:
0x26d: {  	_ = 	snop;
	(pc) =	sbr.rel .LBB2_2-.Ltmp7, $4  }
0x26e: {  	_ = 	snop  }
0x26f: {  	[tilespmem:s5], [sflag:$0x5] =	stream.indirect_vreg.gather [hbm4b:s1+s3], $0x80, v4, vm0, $0xb8;
	[tilespmem:$0x19680] =	vst v63  }
0x270: {  	s17 =	sadd.s32 $0x3200, s17;
	s16 =	sadd.s32 $0x5, s16;
	s15 =	sadd.s32 $0x190, s15  }
0x271: {  	[tilespmem:s6], [sflag:$0x5] =	stream.indirect_vreg.gather [hbm4b:s1+s3], $0x80, v3, vm0, $0xb8;
	[tilespmem:$0x19680] =	vst v63  }
.LBB2_13:
0x272: {  	_ =	sfence.sel $0x180000  }
0x273: {  	[bflag:$0x0] =	sbarrier.arrive $0xFFFF  }
0x274: {  	_ =	strace $0x90000047  }
0x275: {  	s0 =	stileid.u32;
	[bflag:$0x2] =	sbarrier.arrive $0xFFFF  }
0x276: {  	p0 =	sne.s32 s0, $0x0;
	s0 =	rddreg [dreg:$0x3]  }
0x277: {  	s0 =	sadd.s32 @!p0 $0x100000, s0  }
0x278: {  	[sflag:s0] =	ssyncadd.tile.s32 @!p0 $0x1;
	_ =	shalt  }
.Lfunc_end2:
_tile_overlayer_lowered:
.L_overlay_start_2:
0x279: {  	(tag) =	ssettag $0x2  }
0x27a: {  	s0 =	rddreg [dreg:$0x0];
	s2 =	stileid.u32  }
0x27b: {  	s1 =	rddreg [dreg:$0x1];
	p0 =	sne.s32 s2, $0x0  }
0x27c: {  	s3 =	rddreg [dreg:$0x2];
	[bflag:$0x3] =	sbarrier.arrive $0xFFFF;
	s2 =	simm.s32 @!p0 $0x1C0B  }
0x27d: {  	[timem:s3], [sflag:s2] =	dma.local @!p0 [hbm:s0], s1  }
0x27e: {  	s0 =	simm.s32 @!p0 $0xB  }
0x27f: {  	_ =	swait.ge @!p0 [sflag:s0], s1  }
0x280: {  	s1 =	ssub.s32 @!p0 $0x0, s1;
	[sflag:s0] =	ssyncset.done @!p0 $0x0  }
0x281: {  	[sflag:s0] =	ssyncadd.s32 @!p0 s1  }
0x282: {  	[bflag:$0x3] =	sbarrier.arrive $0xFFFF  }
0x283: {  	_ =	shalt  }

</sc_bundles>
